<compile_context>
chip_gen: v7x
topology: tpu7x:2x2x1
jax: 0.10.2.dev20260603
libtpu: 0.0.44.dev20260713+nightly
codegen_flags: <defaults>
</compile_context>

<pallas_src>
import jax
import jax.numpy as jnp
from jax import lax
from jax.experimental import pallas as pl
from jax.experimental.pallas import tpu as pltpu
from jax.experimental.pallas import tpu_sc as plsc

NC = 2
NS = 16
L = 16
NW = NC * NS

BATCH = 16384
K = 64
NIDX = 100000
BPW = BATCH // NW
GCH = 128
BC = 14336
TCG = (NIDX + BC - 1) // BC


def _tc_score_body(ut_ref, it_ref, w_ref, b_ref, us_ref, is_ref):
    wt = w_ref[...].T
    us_ref[...] = jnp.sum(ut_ref[...] * wt[:K], axis=0) + b_ref[0]
    is_ref[...] = jnp.sum(it_ref[...] * wt[K:], axis=0)


def _tc_scores(user_t, item_t, w_t, b):
    return pl.pallas_call(
        _tc_score_body,
        grid=(TCG,),
        in_specs=[
            pl.BlockSpec((K, BC), lambda g: (0, g)),
            pl.BlockSpec((K, BC), lambda g: (0, g)),
            pl.BlockSpec((1, 2 * K), lambda g: (0, 0)),
            pl.BlockSpec(memory_space=pltpu.SMEM),
        ],
        out_specs=[
            pl.BlockSpec((BC,), lambda g: (g,)),
            pl.BlockSpec((BC,), lambda g: (g,)),
        ],
        out_shape=[
            jax.ShapeDtypeStruct((NIDX,), jnp.float32),
            jax.ShapeDtypeStruct((NIDX,), jnp.float32),
        ],
    )(user_t, item_t, w_t, b)


def _sc_body(xt_hbm, us_hbm, is_hbm, out_hbm,
             u_idx_v, i_idx_v, us_v, is_v, out_v, sem_u, sem_i):
    wid = lax.axis_index("s") * NC + lax.axis_index("c")
    base = wid * BPW

    pltpu.sync_copy(xt_hbm.at[0, pl.ds(base, BPW)], u_idx_v)
    pltpu.sync_copy(xt_hbm.at[1, pl.ds(base, BPW)], i_idx_v)

    cps = []
    for g in range(BPW // GCH):
        sl = pl.ds(g * GCH, GCH)
        cps.append(pltpu.async_copy(us_hbm.at[u_idx_v.at[sl]],
                                    us_v.at[sl], sem_u))
        cps.append(pltpu.async_copy(is_hbm.at[i_idx_v.at[sl]],
                                    is_v.at[sl], sem_i))
    for cp in cps:
        cp.wait()

    for g in range(BPW // L):
        sl = pl.ds(g * L, L)
        z = us_v[sl] + is_v[sl]
        out_v[sl] = 1.0 / (1.0 + jnp.exp(-z))

    pltpu.sync_copy(out_v, out_hbm.at[pl.ds(base, BPW)])


def _sc_lookup(xt, us, is_):
    mesh = plsc.VectorSubcoreMesh(core_axis_name="c", subcore_axis_name="s",
                                  num_cores=NC, num_subcores=NS)
    fn = pl.kernel(
        _sc_body, mesh=mesh,
        compiler_params=pltpu.CompilerParams(needs_layout_passes=False,
                                             use_tc_tiling_on_sc=False),
        out_type=jax.ShapeDtypeStruct((BATCH,), jnp.float32),
        scratch_types=[
            pltpu.VMEM((BPW,), jnp.int32),
            pltpu.VMEM((BPW,), jnp.int32),
            pltpu.VMEM((BPW,), jnp.float32),
            pltpu.VMEM((BPW,), jnp.float32),
            pltpu.VMEM((BPW,), jnp.float32),
            pltpu.SemaphoreType.DMA,
            pltpu.SemaphoreType.DMA,
        ],
    )
    return fn(xt, us, is_)


@jax.jit
def _run(x, W, b, user_table, item_table):
    us, is_ = _tc_scores(user_table.T, item_table.T, W.T,
                         b.astype(jnp.float32))
    return _sc_lookup(x.T.astype(jnp.int32), us, is_)


def kernel(x, user_table, item_table, W, b):
    return _run(x, W, b, user_table, item_table)

# --- scband reference (transcript-rebuilt; emitter-appended) ---
"""Pipeline reference for scband-logistic-regression-4750233829565 (READ-ONLY COPY).

The authoritative reference and input builder live on the scoring server;
editing this copy changes nothing except your own understanding.
"""

import jax, jax.numpy as jnp
import numpy as np

NUM_USERS = 1000000
NUM_ITEMS = 100000
EMBED_K = 64
BATCH = 16384

def setup_inputs(seed: int = 0) -> dict:
    key = jax.random.key(seed)
    k1, k2, k3, k4, k5 = jax.random.split(key, 5)
    x = jax.random.randint(k1, (BATCH, 2), 0, 100000, dtype=jnp.int64) if jax.config.jax_enable_x64 else jax.random.randint(k1, (BATCH, 2), 0, 100000).astype(jnp.int32)
    user_table = jax.random.normal(k2, (NUM_USERS, EMBED_K), dtype=jnp.float32)
    item_table = jax.random.normal(k3, (NUM_ITEMS, EMBED_K), dtype=jnp.float32)
    limit = 1.0 / np.sqrt(EMBED_K * 2)
    W = jax.random.uniform(k4, (EMBED_K * 2, 1), dtype=jnp.float32, minval=-limit, maxval=limit)
    b = jax.random.uniform(k5, (1,), dtype=jnp.float32, minval=-limit, maxval=limit)
    return {"x": x, "user_table": user_table, "item_table": item_table, "W": W, "b": b}

def reference(x, user_table, item_table, W, b):
    user_emb = jnp.take(user_table, x[:, 0], axis=0)
    item_emb = jnp.take(item_table, x[:, 1], axis=0)
    z_emb = jnp.concatenate([user_emb, item_emb], axis=1)
    out = jax.nn.sigmoid(z_emb @ W + b)
    return jnp.squeeze(out)

if __name__ == "__main__":
    import jax
    _d = setup_inputs()
    print(jax.jit(kernel)(*tuple(_d.values())))

</pallas_src>

<mosaic_0001>
#map = affine_map<(d0, d1) -> (0, 0)>
#map1 = affine_map<(d0, d1) -> (0)>
module attributes {stable_mosaic.version = 14 : i64} {
  func.func @_sc_body(%arg0: i32, %arg1: i32, %arg2: memref<2x16384xi32, #tpu.memory_space<hbm>>, %arg3: memref<100000xf32, #tpu.memory_space<hbm>>, %arg4: memref<100000xf32, #tpu.memory_space<hbm>>, %arg5: memref<16384xf32, #tpu.memory_space<hbm>>, %arg6: memref<512xi32, #tpu.memory_space<vmem>>, %arg7: memref<512xi32, #tpu.memory_space<vmem>>, %arg8: memref<512xf32, #tpu.memory_space<vmem>>, %arg9: memref<512xf32, #tpu.memory_space<vmem>>, %arg10: memref<512xf32, #tpu.memory_space<vmem>>, %arg11: memref<!tpu.dma_semaphore, #tpu.memory_space<semaphore_mem>>, %arg12: memref<!tpu.dma_semaphore, #tpu.memory_space<semaphore_mem>>) attributes {dimension_semantics = [#tpu.dimension_semantics<core_parallel>, #tpu.dimension_semantics<subcore_parallel>], iteration_bounds = array<i64: 2, 16>, scalar_prefetch = 0 : i64, scratch_operands = 7 : i64, tpu.core_type = #tpu.core_type<sc_vector_subcore>, window_params = [{transform_indices = #map}, {transform_indices = #map1}, {transform_indices = #map1}, {transform_indices = #map1}]} {
    %mul3A = arith.constant 2 : i32
    %mul3A_0 = arith.muli %arg1, %mul3A : i32
    %add3A = arith.addi %mul3A_0, %arg0 : i32
    %mul3A_1 = arith.constant 512 : i32
    %mul3A_2 = arith.muli %add3A, %mul3A_1 : i32
    %run_scoped3A = arith.constant 0 : i32
    "tpu.region"() ({
      %run_scoped3A_637 = tpu.sem_alloc : memref<!tpu.dma_semaphore, #tpu.memory_space<semaphore_mem>>
      %dma_start3A_638 = tpu.memref_slice %arg2[%run_scoped3A, %mul3A_2] : memref<2x16384xi32, #tpu.memory_space<hbm>> -> memref<1x512xi32, #tpu.memory_space<hbm>>
      %dma_start3A_639 = tpu.memref_squeeze %dma_start3A_638 : memref<1x512xi32, #tpu.memory_space<hbm>> -> memref<512xi32, #tpu.memory_space<hbm>>
      %dma_start3A_640 = tpu.memref_slice %arg2[%run_scoped3A, %mul3A_2] : memref<2x16384xi32, #tpu.memory_space<hbm>> -> memref<1x512xi32, #tpu.memory_space<hbm>>
      %dma_start3A_641 = tpu.memref_squeeze %dma_start3A_640 : memref<1x512xi32, #tpu.memory_space<hbm>> -> memref<512xi32, #tpu.memory_space<hbm>>
      tpu.enqueue_dma source(%dma_start3A_641 : memref<512xi32, #tpu.memory_space<hbm>>) target(%arg6 : memref<512xi32, #tpu.memory_space<vmem>>) target_semaphore(%run_scoped3A_637 : memref<!tpu.dma_semaphore, #tpu.memory_space<semaphore_mem>>)
      %dma_wait3A_642 = tpu.memref_slice %arg2[%run_scoped3A, %mul3A_2] : memref<2x16384xi32, #tpu.memory_space<hbm>> -> memref<1x512xi32, #tpu.memory_space<hbm>>
      %dma_wait3A_643 = tpu.memref_squeeze %dma_wait3A_642 : memref<1x512xi32, #tpu.memory_space<hbm>> -> memref<512xi32, #tpu.memory_space<hbm>>
      %dma_wait3A_644 = tpu.memref_slice %arg2[%run_scoped3A, %mul3A_2] : memref<2x16384xi32, #tpu.memory_space<hbm>> -> memref<1x512xi32, #tpu.memory_space<hbm>>
      %dma_wait3A_645 = tpu.memref_squeeze %dma_wait3A_644 : memref<1x512xi32, #tpu.memory_space<hbm>> -> memref<512xi32, #tpu.memory_space<hbm>>
      tpu.wait_dma2 semaphore(%run_scoped3A_637 : memref<!tpu.dma_semaphore, #tpu.memory_space<semaphore_mem>>) src(%dma_wait3A_645 : memref<512xi32, #tpu.memory_space<hbm>>) dst(%arg6 : memref<512xi32, #tpu.memory_space<vmem>>)
      tpu.yield
    }) : () -> ()
    %run_scoped3A_3 = arith.constant 1 : i32
    "tpu.region"() ({
      %run_scoped3A_637 = tpu.sem_alloc : memref<!tpu.dma_semaphore, #tpu.memory_space<semaphore_mem>>
      %dma_start3A_638 = tpu.memref_slice %arg2[%run_scoped3A_3, %mul3A_2] : memref<2x16384xi32, #tpu.memory_space<hbm>> -> memref<1x512xi32, #tpu.memory_space<hbm>>
      %dma_start3A_639 = tpu.memref_squeeze %dma_start3A_638 : memref<1x512xi32, #tpu.memory_space<hbm>> -> memref<512xi32, #tpu.memory_space<hbm>>
      %dma_start3A_640 = tpu.memref_slice %arg2[%run_scoped3A_3, %mul3A_2] : memref<2x16384xi32, #tpu.memory_space<hbm>> -> memref<1x512xi32, #tpu.memory_space<hbm>>
      %dma_start3A_641 = tpu.memref_squeeze %dma_start3A_640 : memref<1x512xi32, #tpu.memory_space<hbm>> -> memref<512xi32, #tpu.memory_space<hbm>>
      tpu.enqueue_dma source(%dma_start3A_641 : memref<512xi32, #tpu.memory_space<hbm>>) target(%arg7 : memref<512xi32, #tpu.memory_space<vmem>>) target_semaphore(%run_scoped3A_637 : memref<!tpu.dma_semaphore, #tpu.memory_space<semaphore_mem>>)
      %dma_wait3A_642 = tpu.memref_slice %arg2[%run_scoped3A_3, %mul3A_2] : memref<2x16384xi32, #tpu.memory_space<hbm>> -> memref<1x512xi32, #tpu.memory_space<hbm>>
      %dma_wait3A_643 = tpu.memref_squeeze %dma_wait3A_642 : memref<1x512xi32, #tpu.memory_space<hbm>> -> memref<512xi32, #tpu.memory_space<hbm>>
      %dma_wait3A_644 = tpu.memref_slice %arg2[%run_scoped3A_3, %mul3A_2] : memref<2x16384xi32, #tpu.memory_space<hbm>> -> memref<1x512xi32, #tpu.memory_space<hbm>>
      %dma_wait3A_645 = tpu.memref_squeeze %dma_wait3A_644 : memref<1x512xi32, #tpu.memory_space<hbm>> -> memref<512xi32, #tpu.memory_space<hbm>>
      tpu.wait_dma2 semaphore(%run_scoped3A_637 : memref<!tpu.dma_semaphore, #tpu.memory_space<semaphore_mem>>) src(%dma_wait3A_645 : memref<512xi32, #tpu.memory_space<hbm>>) dst(%arg7 : memref<512xi32, #tpu.memory_space<vmem>>)
      tpu.yield
    }) : () -> ()
    %dma_start3A = arith.constant 0 : i32
    %dma_start3A_4 = tpu.memref_slice %arg8[%dma_start3A] : memref<512xf32, #tpu.memory_space<vmem>> -> memref<128xf32, #tpu.memory_space<vmem>>
    %dma_start3A_5 = arith.constant 0 : i32
    %dma_start3A_6 = tpu.memref_slice %arg6[%dma_start3A_5] : memref<512xi32, #tpu.memory_space<vmem>> -> memref<128xi32, #tpu.memory_space<vmem>>
    %dma_start3A_7 = arith.constant 0 : i32
    %dma_start3A_8 = tpu.memref_slice %arg3[%dma_start3A_7] : memref<100000xf32, #tpu.memory_space<hbm>> -> memref<100000xf32, #tpu.memory_space<hbm>>
    tpu.enqueue_indirect_dma source(%dma_start3A_8 : memref<100000xf32, #tpu.memory_space<hbm>>) target(%dma_start3A_4 : memref<128xf32, #tpu.memory_space<vmem>>) offsets(%dma_start3A_6 : memref<128xi32, #tpu.memory_space<vmem>>) semaphore(%arg11 : memref<!tpu.dma_semaphore, #tpu.memory_space<semaphore_mem>>)
    %dma_start3A_9 = arith.constant 0 : i32
    %dma_start3A_10 = tpu.memref_slice %arg9[%dma_start3A_9] : memref<512xf32, #tpu.memory_space<vmem>> -> memref<128xf32, #tpu.memory_space<vmem>>
    %dma_start3A_11 = arith.constant 0 : i32
    %dma_start3A_12 = tpu.memref_slice %arg7[%dma_start3A_11] : memref<512xi32, #tpu.memory_space<vmem>> -> memref<128xi32, #tpu.memory_space<vmem>>
    %dma_start3A_13 = arith.constant 0 : i32
    %dma_start3A_14 = tpu.memref_slice %arg4[%dma_start3A_13] : memref<100000xf32, #tpu.memory_space<hbm>> -> memref<100000xf32, #tpu.memory_space<hbm>>
    tpu.enqueue_indirect_dma source(%dma_start3A_14 : memref<100000xf32, #tpu.memory_space<hbm>>) target(%dma_start3A_10 : memref<128xf32, #tpu.memory_space<vmem>>) offsets(%dma_start3A_12 : memref<128xi32, #tpu.memory_space<vmem>>) semaphore(%arg12 : memref<!tpu.dma_semaphore, #tpu.memory_space<semaphore_mem>>)
    %dma_start3A_15 = arith.constant 128 : i32
    %dma_start3A_16 = tpu.memref_slice %arg8[%dma_start3A_15] : memref<512xf32, #tpu.memory_space<vmem>> -> memref<128xf32, #tpu.memory_space<vmem>>
    %dma_start3A_17 = arith.constant 128 : i32
    %dma_start3A_18 = tpu.memref_slice %arg6[%dma_start3A_17] : memref<512xi32, #tpu.memory_space<vmem>> -> memref<128xi32, #tpu.memory_space<vmem>>
    %dma_start3A_19 = arith.constant 0 : i32
    %dma_start3A_20 = tpu.memref_slice %arg3[%dma_start3A_19] : memref<100000xf32, #tpu.memory_space<hbm>> -> memref<100000xf32, #tpu.memory_space<hbm>>
    tpu.enqueue_indirect_dma source(%dma_start3A_20 : memref<100000xf32, #tpu.memory_space<hbm>>) target(%dma_start3A_16 : memref<128xf32, #tpu.memory_space<vmem>>) offsets(%dma_start3A_18 : memref<128xi32, #tpu.memory_space<vmem>>) semaphore(%arg11 : memref<!tpu.dma_semaphore, #tpu.memory_space<semaphore_mem>>)
    %dma_start3A_21 = arith.constant 128 : i32
    %dma_start3A_22 = tpu.memref_slice %arg9[%dma_start3A_21] : memref<512xf32, #tpu.memory_space<vmem>> -> memref<128xf32, #tpu.memory_space<vmem>>
    %dma_start3A_23 = arith.constant 128 : i32
    %dma_start3A_24 = tpu.memref_slice %arg7[%dma_start3A_23] : memref<512xi32, #tpu.memory_space<vmem>> -> memref<128xi32, #tpu.memory_space<vmem>>
    %dma_start3A_25 = arith.constant 0 : i32
    %dma_start3A_26 = tpu.memref_slice %arg4[%dma_start3A_25] : memref<100000xf32, #tpu.memory_space<hbm>> -> memref<100000xf32, #tpu.memory_space<hbm>>
    tpu.enqueue_indirect_dma source(%dma_start3A_26 : memref<100000xf32, #tpu.memory_space<hbm>>) target(%dma_start3A_22 : memref<128xf32, #tpu.memory_space<vmem>>) offsets(%dma_start3A_24 : memref<128xi32, #tpu.memory_space<vmem>>) semaphore(%arg12 : memref<!tpu.dma_semaphore, #tpu.memory_space<semaphore_mem>>)
    %dma_start3A_27 = arith.constant 256 : i32
    %dma_start3A_28 = tpu.memref_slice %arg8[%dma_start3A_27] : memref<512xf32, #tpu.memory_space<vmem>> -> memref<128xf32, #tpu.memory_space<vmem>>
    %dma_start3A_29 = arith.constant 256 : i32
    %dma_start3A_30 = tpu.memref_slice %arg6[%dma_start3A_29] : memref<512xi32, #tpu.memory_space<vmem>> -> memref<128xi32, #tpu.memory_space<vmem>>
    %dma_start3A_31 = arith.constant 0 : i32
    %dma_start3A_32 = tpu.memref_slice %arg3[%dma_start3A_31] : memref<100000xf32, #tpu.memory_space<hbm>> -> memref<100000xf32, #tpu.memory_space<hbm>>
    tpu.enqueue_indirect_dma source(%dma_start3A_32 : memref<100000xf32, #tpu.memory_space<hbm>>) target(%dma_start3A_28 : memref<128xf32, #tpu.memory_space<vmem>>) offsets(%dma_start3A_30 : memref<128xi32, #tpu.memory_space<vmem>>) semaphore(%arg11 : memref<!tpu.dma_semaphore, #tpu.memory_space<semaphore_mem>>)
    %dma_start3A_33 = arith.constant 256 : i32
    %dma_start3A_34 = tpu.memref_slice %arg9[%dma_start3A_33] : memref<512xf32, #tpu.memory_space<vmem>> -> memref<128xf32, #tpu.memory_space<vmem>>
    %dma_start3A_35 = arith.constant 256 : i32
    %dma_start3A_36 = tpu.memref_slice %arg7[%dma_start3A_35] : memref<512xi32, #tpu.memory_space<vmem>> -> memref<128xi32, #tpu.memory_space<vmem>>
    %dma_start3A_37 = arith.constant 0 : i32
    %dma_start3A_38 = tpu.memref_slice %arg4[%dma_start3A_37] : memref<100000xf32, #tpu.memory_space<hbm>> -> memref<100000xf32, #tpu.memory_space<hbm>>
    tpu.enqueue_indirect_dma source(%dma_start3A_38 : memref<100000xf32, #tpu.memory_space<hbm>>) target(%dma_start3A_34 : memref<128xf32, #tpu.memory_space<vmem>>) offsets(%dma_start3A_36 : memref<128xi32, #tpu.memory_space<vmem>>) semaphore(%arg12 : memref<!tpu.dma_semaphore, #tpu.memory_space<semaphore_mem>>)
    %dma_start3A_39 = arith.constant 384 : i32
    %dma_start3A_40 = tpu.memref_slice %arg8[%dma_start3A_39] : memref<512xf32, #tpu.memory_space<vmem>> -> memref<128xf32, #tpu.memory_space<vmem>>
    %dma_start3A_41 = arith.constant 384 : i32
    %dma_start3A_42 = tpu.memref_slice %arg6[%dma_start3A_41] : memref<512xi32, #tpu.memory_space<vmem>> -> memref<128xi32, #tpu.memory_space<vmem>>
    %dma_start3A_43 = arith.constant 0 : i32
    %dma_start3A_44 = tpu.memref_slice %arg3[%dma_start3A_43] : memref<100000xf32, #tpu.memory_space<hbm>> -> memref<100000xf32, #tpu.memory_space<hbm>>
    tpu.enqueue_indirect_dma source(%dma_start3A_44 : memref<100000xf32, #tpu.memory_space<hbm>>) target(%dma_start3A_40 : memref<128xf32, #tpu.memory_space<vmem>>) offsets(%dma_start3A_42 : memref<128xi32, #tpu.memory_space<vmem>>) semaphore(%arg11 : memref<!tpu.dma_semaphore, #tpu.memory_space<semaphore_mem>>)
    %dma_start3A_45 = arith.constant 384 : i32
    %dma_start3A_46 = tpu.memref_slice %arg9[%dma_start3A_45] : memref<512xf32, #tpu.memory_space<vmem>> -> memref<128xf32, #tpu.memory_space<vmem>>
    %dma_start3A_47 = arith.constant 384 : i32
    %dma_start3A_48 = tpu.memref_slice %arg7[%dma_start3A_47] : memref<512xi32, #tpu.memory_space<vmem>> -> memref<128xi32, #tpu.memory_space<vmem>>
    %dma_start3A_49 = arith.constant 0 : i32
    %dma_start3A_50 = tpu.memref_slice %arg4[%dma_start3A_49] : memref<100000xf32, #tpu.memory_space<hbm>> -> memref<100000xf32, #tpu.memory_space<hbm>>
    tpu.enqueue_indirect_dma source(%dma_start3A_50 : memref<100000xf32, #tpu.memory_space<hbm>>) target(%dma_start3A_46 : memref<128xf32, #tpu.memory_space<vmem>>) offsets(%dma_start3A_48 : memref<128xi32, #tpu.memory_space<vmem>>) semaphore(%arg12 : memref<!tpu.dma_semaphore, #tpu.memory_space<semaphore_mem>>)
    %dma_wait3A = arith.constant 0 : i32
    %dma_wait3A_51 = tpu.memref_slice %arg8[%dma_wait3A] : memref<512xf32, #tpu.memory_space<vmem>> -> memref<128xf32, #tpu.memory_space<vmem>>
    %dma_wait3A_52 = arith.constant 0 : i32
    %dma_wait3A_53 = tpu.memref_slice %arg6[%dma_wait3A_52] : memref<512xi32, #tpu.memory_space<vmem>> -> memref<128xi32, #tpu.memory_space<vmem>>
    %dma_wait3A_54 = arith.constant 0 : i32
    %dma_wait3A_55 = tpu.memref_slice %arg3[%dma_wait3A_54] : memref<100000xf32, #tpu.memory_space<hbm>> -> memref<100000xf32, #tpu.memory_space<hbm>>
    tpu.wait_indirect_dma semaphore(%arg11 : memref<!tpu.dma_semaphore, #tpu.memory_space<semaphore_mem>>) src(%dma_wait3A_55 : memref<100000xf32, #tpu.memory_space<hbm>>) dst(%dma_wait3A_51 : memref<128xf32, #tpu.memory_space<vmem>>)
    %dma_wait3A_56 = arith.constant 0 : i32
    %dma_wait3A_57 = tpu.memref_slice %arg9[%dma_wait3A_56] : memref<512xf32, #tpu.memory_space<vmem>> -> memref<128xf32, #tpu.memory_space<vmem>>
    %dma_wait3A_58 = arith.constant 0 : i32
    %dma_wait3A_59 = tpu.memref_slice %arg7[%dma_wait3A_58] : memref<512xi32, #tpu.memory_space<vmem>> -> memref<128xi32, #tpu.memory_space<vmem>>
    %dma_wait3A_60 = arith.constant 0 : i32
    %dma_wait3A_61 = tpu.memref_slice %arg4[%dma_wait3A_60] : memref<100000xf32, #tpu.memory_space<hbm>> -> memref<100000xf32, #tpu.memory_space<hbm>>
    tpu.wait_indirect_dma semaphore(%arg12 : memref<!tpu.dma_semaphore, #tpu.memory_space<semaphore_mem>>) src(%dma_wait3A_61 : memref<100000xf32, #tpu.memory_space<hbm>>) dst(%dma_wait3A_57 : memref<128xf32, #tpu.memory_space<vmem>>)
    %dma_wait3A_62 = arith.constant 128 : i32
    %dma_wait3A_63 = tpu.memref_slice %arg8[%dma_wait3A_62] : memref<512xf32, #tpu.memory_space<vmem>> -> memref<128xf32, #tpu.memory_space<vmem>>
    %dma_wait3A_64 = arith.constant 128 : i32
    %dma_wait3A_65 = tpu.memref_slice %arg6[%dma_wait3A_64] : memref<512xi32, #tpu.memory_space<vmem>> -> memref<128xi32, #tpu.memory_space<vmem>>
    %dma_wait3A_66 = arith.constant 0 : i32
    %dma_wait3A_67 = tpu.memref_slice %arg3[%dma_wait3A_66] : memref<100000xf32, #tpu.memory_space<hbm>> -> memref<100000xf32, #tpu.memory_space<hbm>>
    tpu.wait_indirect_dma semaphore(%arg11 : memref<!tpu.dma_semaphore, #tpu.memory_space<semaphore_mem>>) src(%dma_wait3A_67 : memref<100000xf32, #tpu.memory_space<hbm>>) dst(%dma_wait3A_63 : memref<128xf32, #tpu.memory_space<vmem>>)
    %dma_wait3A_68 = arith.constant 128 : i32
    %dma_wait3A_69 = tpu.memref_slice %arg9[%dma_wait3A_68] : memref<512xf32, #tpu.memory_space<vmem>> -> memref<128xf32, #tpu.memory_space<vmem>>
    %dma_wait3A_70 = arith.constant 128 : i32
    %dma_wait3A_71 = tpu.memref_slice %arg7[%dma_wait3A_70] : memref<512xi32, #tpu.memory_space<vmem>> -> memref<128xi32, #tpu.memory_space<vmem>>
    %dma_wait3A_72 = arith.constant 0 : i32
    %dma_wait3A_73 = tpu.memref_slice %arg4[%dma_wait3A_72] : memref<100000xf32, #tpu.memory_space<hbm>> -> memref<100000xf32, #tpu.memory_space<hbm>>
    tpu.wait_indirect_dma semaphore(%arg12 : memref<!tpu.dma_semaphore, #tpu.memory_space<semaphore_mem>>) src(%dma_wait3A_73 : memref<100000xf32, #tpu.memory_space<hbm>>) dst(%dma_wait3A_69 : memref<128xf32, #tpu.memory_space<vmem>>)
    %dma_wait3A_74 = arith.constant 256 : i32
    %dma_wait3A_75 = tpu.memref_slice %arg8[%dma_wait3A_74] : memref<512xf32, #tpu.memory_space<vmem>> -> memref<128xf32, #tpu.memory_space<vmem>>
    %dma_wait3A_76 = arith.constant 256 : i32
    %dma_wait3A_77 = tpu.memref_slice %arg6[%dma_wait3A_76] : memref<512xi32, #tpu.memory_space<vmem>> -> memref<128xi32, #tpu.memory_space<vmem>>
    %dma_wait3A_78 = arith.constant 0 : i32
    %dma_wait3A_79 = tpu.memref_slice %arg3[%dma_wait3A_78] : memref<100000xf32, #tpu.memory_space<hbm>> -> memref<100000xf32, #tpu.memory_space<hbm>>
    tpu.wait_indirect_dma semaphore(%arg11 : memref<!tpu.dma_semaphore, #tpu.memory_space<semaphore_mem>>) src(%dma_wait3A_79 : memref<100000xf32, #tpu.memory_space<hbm>>) dst(%dma_wait3A_75 : memref<128xf32, #tpu.memory_space<vmem>>)
    %dma_wait3A_80 = arith.constant 256 : i32
    %dma_wait3A_81 = tpu.memref_slice %arg9[%dma_wait3A_80] : memref<512xf32, #tpu.memory_space<vmem>> -> memref<128xf32, #tpu.memory_space<vmem>>
    %dma_wait3A_82 = arith.constant 256 : i32
    %dma_wait3A_83 = tpu.memref_slice %arg7[%dma_wait3A_82] : memref<512xi32, #tpu.memory_space<vmem>> -> memref<128xi32, #tpu.memory_space<vmem>>
    %dma_wait3A_84 = arith.constant 0 : i32
    %dma_wait3A_85 = tpu.memref_slice %arg4[%dma_wait3A_84] : memref<100000xf32, #tpu.memory_space<hbm>> -> memref<100000xf32, #tpu.memory_space<hbm>>
    tpu.wait_indirect_dma semaphore(%arg12 : memref<!tpu.dma_semaphore, #tpu.memory_space<semaphore_mem>>) src(%dma_wait3A_85 : memref<100000xf32, #tpu.memory_space<hbm>>) dst(%dma_wait3A_81 : memref<128xf32, #tpu.memory_space<vmem>>)
    %dma_wait3A_86 = arith.constant 384 : i32
    %dma_wait3A_87 = tpu.memref_slice %arg8[%dma_wait3A_86] : memref<512xf32, #tpu.memory_space<vmem>> -> memref<128xf32, #tpu.memory_space<vmem>>
    %dma_wait3A_88 = arith.constant 384 : i32
    %dma_wait3A_89 = tpu.memref_slice %arg6[%dma_wait3A_88] : memref<512xi32, #tpu.memory_space<vmem>> -> memref<128xi32, #tpu.memory_space<vmem>>
    %dma_wait3A_90 = arith.constant 0 : i32
    %dma_wait3A_91 = tpu.memref_slice %arg3[%dma_wait3A_90] : memref<100000xf32, #tpu.memory_space<hbm>> -> memref<100000xf32, #tpu.memory_space<hbm>>
    tpu.wait_indirect_dma semaphore(%arg11 : memref<!tpu.dma_semaphore, #tpu.memory_space<semaphore_mem>>) src(%dma_wait3A_91 : memref<100000xf32, #tpu.memory_space<hbm>>) dst(%dma_wait3A_87 : memref<128xf32, #tpu.memory_space<vmem>>)
    %dma_wait3A_92 = arith.constant 384 : i32
    %dma_wait3A_93 = tpu.memref_slice %arg9[%dma_wait3A_92] : memref<512xf32, #tpu.memory_space<vmem>> -> memref<128xf32, #tpu.memory_space<vmem>>
    %dma_wait3A_94 = arith.constant 384 : i32
    %dma_wait3A_95 = tpu.memref_slice %arg7[%dma_wait3A_94] : memref<512xi32, #tpu.memory_space<vmem>> -> memref<128xi32, #tpu.memory_space<vmem>>
    %dma_wait3A_96 = arith.constant 0 : i32
    %dma_wait3A_97 = tpu.memref_slice %arg4[%dma_wait3A_96] : memref<100000xf32, #tpu.memory_space<hbm>> -> memref<100000xf32, #tpu.memory_space<hbm>>
    tpu.wait_indirect_dma semaphore(%arg12 : memref<!tpu.dma_semaphore, #tpu.memory_space<semaphore_mem>>) src(%dma_wait3A_97 : memref<100000xf32, #tpu.memory_space<hbm>>) dst(%dma_wait3A_93 : memref<128xf32, #tpu.memory_space<vmem>>)
    %get3A = arith.constant 0 : index
    %get3A_98 = tpu.vector_load %arg8[%get3A] {strides = array<i32>} : memref<512xf32, #tpu.memory_space<vmem>>, vector<16xf32>,
    %get3A_99 = arith.constant 0 : index
    %get3A_100 = tpu.vector_load %arg9[%get3A_99] {strides = array<i32>} : memref<512xf32, #tpu.memory_space<vmem>>, vector<16xf32>,
    %add3A_101 = arith.addf %get3A_98, %get3A_100 : vector<16xf32>
    %neg3A = arith.constant 0.000000e+00 : f32
    %neg3A_102 = vector.broadcast %neg3A : f32 to vector<16xf32>
    %neg3A_103 = arith.subf %neg3A_102, %add3A_101 : vector<16xf32>
    %exp3A = math.exp %neg3A_103 : vector<16xf32>
    %add3A_104 = arith.constant 1.000000e+00 : f32
    %add3A_105 = vector.broadcast %add3A_104 : f32 to vector<16xf32>
    %add3A_106 = arith.addf %add3A_105, %exp3A : vector<16xf32>
    %div3A = arith.constant 1.000000e+00 : f32
    %div3A_107 = vector.broadcast %div3A : f32 to vector<16xf32>
    %div3A_108 = arith.divf %div3A_107, %add3A_106 : vector<16xf32>
    %swap3A = arith.constant 0 : index
    %swap3A_109 = tpu.vector_load %arg10[%swap3A] {strides = array<i32>} : memref<512xf32, #tpu.memory_space<vmem>>, vector<16xf32>,
    tpu.vector_store %arg10[%swap3A], %div3A_108 {strides = array<i32>} : memref<512xf32, #tpu.memory_space<vmem>>, vector<16xf32>,
    %get3A_110 = arith.constant 16 : index
    %get3A_111 = tpu.vector_load %arg8[%get3A_110] {strides = array<i32>} : memref<512xf32, #tpu.memory_space<vmem>>, vector<16xf32>,
    %get3A_112 = arith.constant 16 : index
    %get3A_113 = tpu.vector_load %arg9[%get3A_112] {strides = array<i32>} : memref<512xf32, #tpu.memory_space<vmem>>, vector<16xf32>,
    %add3A_114 = arith.addf %get3A_111, %get3A_113 : vector<16xf32>
    %neg3A_115 = arith.constant 0.000000e+00 : f32
    %neg3A_116 = vector.broadcast %neg3A_115 : f32 to vector<16xf32>
    %neg3A_117 = arith.subf %neg3A_116, %add3A_114 : vector<16xf32>
    %exp3A_118 = math.exp %neg3A_117 : vector<16xf32>
    %add3A_119 = arith.constant 1.000000e+00 : f32
    %add3A_120 = vector.broadcast %add3A_119 : f32 to vector<16xf32>
    %add3A_121 = arith.addf %add3A_120, %exp3A_118 : vector<16xf32>
    %div3A_122 = arith.constant 1.000000e+00 : f32
    %div3A_123 = vector.broadcast %div3A_122 : f32 to vector<16xf32>
    %div3A_124 = arith.divf %div3A_123, %add3A_121 : vector<16xf32>
    %swap3A_125 = arith.constant 16 : index
    %swap3A_126 = tpu.vector_load %arg10[%swap3A_125] {strides = array<i32>} : memref<512xf32, #tpu.memory_space<vmem>>, vector<16xf32>,
    tpu.vector_store %arg10[%swap3A_125], %div3A_124 {strides = array<i32>} : memref<512xf32, #tpu.memory_space<vmem>>, vector<16xf32>,
    %get3A_127 = arith.constant 32 : index
    %get3A_128 = tpu.vector_load %arg8[%get3A_127] {strides = array<i32>} : memref<512xf32, #tpu.memory_space<vmem>>, vector<16xf32>,
    %get3A_129 = arith.constant 32 : index
    %get3A_130 = tpu.vector_load %arg9[%get3A_129] {strides = array<i32>} : memref<512xf32, #tpu.memory_space<vmem>>, vector<16xf32>,
    %add3A_131 = arith.addf %get3A_128, %get3A_130 : vector<16xf32>
    %neg3A_132 = arith.constant 0.000000e+00 : f32
    %neg3A_133 = vector.broadcast %neg3A_132 : f32 to vector<16xf32>
    %neg3A_134 = arith.subf %neg3A_133, %add3A_131 : vector<16xf32>
    %exp3A_135 = math.exp %neg3A_134 : vector<16xf32>
    %add3A_136 = arith.constant 1.000000e+00 : f32
    %add3A_137 = vector.broadcast %add3A_136 : f32 to vector<16xf32>
    %add3A_138 = arith.addf %add3A_137, %exp3A_135 : vector<16xf32>
    %div3A_139 = arith.constant 1.000000e+00 : f32
    %div3A_140 = vector.broadcast %div3A_139 : f32 to vector<16xf32>
    %div3A_141 = arith.divf %div3A_140, %add3A_138 : vector<16xf32>
    %swap3A_142 = arith.constant 32 : index
    %swap3A_143 = tpu.vector_load %arg10[%swap3A_142] {strides = array<i32>} : memref<512xf32, #tpu.memory_space<vmem>>, vector<16xf32>,
    tpu.vector_store %arg10[%swap3A_142], %div3A_141 {strides = array<i32>} : memref<512xf32, #tpu.memory_space<vmem>>, vector<16xf32>,
    %get3A_144 = arith.constant 48 : index
    %get3A_145 = tpu.vector_load %arg8[%get3A_144] {strides = array<i32>} : memref<512xf32, #tpu.memory_space<vmem>>, vector<16xf32>,
    %get3A_146 = arith.constant 48 : index
    %get3A_147 = tpu.vector_load %arg9[%get3A_146] {strides = array<i32>} : memref<512xf32, #tpu.memory_space<vmem>>, vector<16xf32>,
    %add3A_148 = arith.addf %get3A_145, %get3A_147 : vector<16xf32>
    %neg3A_149 = arith.constant 0.000000e+00 : f32
    %neg3A_150 = vector.broadcast %neg3A_149 : f32 to vector<16xf32>
    %neg3A_151 = arith.subf %neg3A_150, %add3A_148 : vector<16xf32>
    %exp3A_152 = math.exp %neg3A_151 : vector<16xf32>
    %add3A_153 = arith.constant 1.000000e+00 : f32
    %add3A_154 = vector.broadcast %add3A_153 : f32 to vector<16xf32>
    %add3A_155 = arith.addf %add3A_154, %exp3A_152 : vector<16xf32>
    %div3A_156 = arith.constant 1.000000e+00 : f32
    %div3A_157 = vector.broadcast %div3A_156 : f32 to vector<16xf32>
    %div3A_158 = arith.divf %div3A_157, %add3A_155 : vector<16xf32>
    %swap3A_159 = arith.constant 48 : index
    %swap3A_160 = tpu.vector_load %arg10[%swap3A_159] {strides = array<i32>} : memref<512xf32, #tpu.memory_space<vmem>>, vector<16xf32>,
    tpu.vector_store %arg10[%swap3A_159], %div3A_158 {strides = array<i32>} : memref<512xf32, #tpu.memory_space<vmem>>, vector<16xf32>,
    %get3A_161 = arith.constant 64 : index
    %get3A_162 = tpu.vector_load %arg8[%get3A_161] {strides = array<i32>} : memref<512xf32, #tpu.memory_space<vmem>>, vector<16xf32>,
    %get3A_163 = arith.constant 64 : index
    %get3A_164 = tpu.vector_load %arg9[%get3A_163] {strides = array<i32>} : memref<512xf32, #tpu.memory_space<vmem>>, vector<16xf32>,
    %add3A_165 = arith.addf %get3A_162, %get3A_164 : vector<16xf32>
    %neg3A_166 = arith.constant 0.000000e+00 : f32
    %neg3A_167 = vector.broadcast %neg3A_166 : f32 to vector<16xf32>
    %neg3A_168 = arith.subf %neg3A_167, %add3A_165 : vector<16xf32>
    %exp3A_169 = math.exp %neg3A_168 : vector<16xf32>
    %add3A_170 = arith.constant 1.000000e+00 : f32
    %add3A_171 = vector.broadcast %add3A_170 : f32 to vector<16xf32>
    %add3A_172 = arith.addf %add3A_171, %exp3A_169 : vector<16xf32>
    %div3A_173 = arith.constant 1.000000e+00 : f32
    %div3A_174 = vector.broadcast %div3A_173 : f32 to vector<16xf32>
    %div3A_175 = arith.divf %div3A_174, %add3A_172 : vector<16xf32>
    %swap3A_176 = arith.constant 64 : index
    %swap3A_177 = tpu.vector_load %arg10[%swap3A_176] {strides = array<i32>} : memref<512xf32, #tpu.memory_space<vmem>>, vector<16xf32>,
    tpu.vector_store %arg10[%swap3A_176], %div3A_175 {strides = array<i32>} : memref<512xf32, #tpu.memory_space<vmem>>, vector<16xf32>,
    %get3A_178 = arith.constant 80 : index
    %get3A_179 = tpu.vector_load %arg8[%get3A_178] {strides = array<i32>} : memref<512xf32, #tpu.memory_space<vmem>>, vector<16xf32>,
    %get3A_180 = arith.constant 80 : index
    %get3A_181 = tpu.vector_load %arg9[%get3A_180] {strides = array<i32>} : memref<512xf32, #tpu.memory_space<vmem>>, vector<16xf32>,
    %add3A_182 = arith.addf %get3A_179, %get3A_181 : vector<16xf32>
    %neg3A_183 = arith.constant 0.000000e+00 : f32
    %neg3A_184 = vector.broadcast %neg3A_183 : f32 to vector<16xf32>
    %neg3A_185 = arith.subf %neg3A_184, %add3A_182 : vector<16xf32>
    %exp3A_186 = math.exp %neg3A_185 : vector<16xf32>
    %add3A_187 = arith.constant 1.000000e+00 : f32
    %add3A_188 = vector.broadcast %add3A_187 : f32 to vector<16xf32>
    %add3A_189 = arith.addf %add3A_188, %exp3A_186 : vector<16xf32>
    %div3A_190 = arith.constant 1.000000e+00 : f32
    %div3A_191 = vector.broadcast %div3A_190 : f32 to vector<16xf32>
    %div3A_192 = arith.divf %div3A_191, %add3A_189 : vector<16xf32>
    %swap3A_193 = arith.constant 80 : index
    %swap3A_194 = tpu.vector_load %arg10[%swap3A_193] {strides = array<i32>} : memref<512xf32, #tpu.memory_space<vmem>>, vector<16xf32>,
    tpu.vector_store %arg10[%swap3A_193], %div3A_192 {strides = array<i32>} : memref<512xf32, #tpu.memory_space<vmem>>, vector<16xf32>,
    %get3A_195 = arith.constant 96 : index
    %get3A_196 = tpu.vector_load %arg8[%get3A_195] {strides = array<i32>} : memref<512xf32, #tpu.memory_space<vmem>>, vector<16xf32>,
    %get3A_197 = arith.constant 96 : index
    %get3A_198 = tpu.vector_load %arg9[%get3A_197] {strides = array<i32>} : memref<512xf32, #tpu.memory_space<vmem>>, vector<16xf32>,
    %add3A_199 = arith.addf %get3A_196, %get3A_198 : vector<16xf32>
    %neg3A_200 = arith.constant 0.000000e+00 : f32
    %neg3A_201 = vector.broadcast %neg3A_200 : f32 to vector<16xf32>
    %neg3A_202 = arith.subf %neg3A_201, %add3A_199 : vector<16xf32>
    %exp3A_203 = math.exp %neg3A_202 : vector<16xf32>
    %add3A_204 = arith.constant 1.000000e+00 : f32
    %add3A_205 = vector.broadcast %add3A_204 : f32 to vector<16xf32>
    %add3A_206 = arith.addf %add3A_205, %exp3A_203 : vector<16xf32>
    %div3A_207 = arith.constant 1.000000e+00 : f32
    %div3A_208 = vector.broadcast %div3A_207 : f32 to vector<16xf32>
    %div3A_209 = arith.divf %div3A_208, %add3A_206 : vector<16xf32>
    %swap3A_210 = arith.constant 96 : index
    %swap3A_211 = tpu.vector_load %arg10[%swap3A_210] {strides = array<i32>} : memref<512xf32, #tpu.memory_space<vmem>>, vector<16xf32>,
    tpu.vector_store %arg10[%swap3A_210], %div3A_209 {strides = array<i32>} : memref<512xf32, #tpu.memory_space<vmem>>, vector<16xf32>,
    %get3A_212 = arith.constant 112 : index
    %get3A_213 = tpu.vector_load %arg8[%get3A_212] {strides = array<i32>} : memref<512xf32, #tpu.memory_space<vmem>>, vector<16xf32>,
    %get3A_214 = arith.constant 112 : index
    %get3A_215 = tpu.vector_load %arg9[%get3A_214] {strides = array<i32>} : memref<512xf32, #tpu.memory_space<vmem>>, vector<16xf32>,
    %add3A_216 = arith.addf %get3A_213, %get3A_215 : vector<16xf32>
    %neg3A_217 = arith.constant 0.000000e+00 : f32
    %neg3A_218 = vector.broadcast %neg3A_217 : f32 to vector<16xf32>
    %neg3A_219 = arith.subf %neg3A_218, %add3A_216 : vector<16xf32>
    %exp3A_220 = math.exp %neg3A_219 : vector<16xf32>
    %add3A_221 = arith.constant 1.000000e+00 : f32
    %add3A_222 = vector.broadcast %add3A_221 : f32 to vector<16xf32>
    %add3A_223 = arith.addf %add3A_222, %exp3A_220 : vector<16xf32>
    %div3A_224 = arith.constant 1.000000e+00 : f32
    %div3A_225 = vector.broadcast %div3A_224 : f32 to vector<16xf32>
    %div3A_226 = arith.divf %div3A_225, %add3A_223 : vector<16xf32>
    %swap3A_227 = arith.constant 112 : index
    %swap3A_228 = tpu.vector_load %arg10[%swap3A_227] {strides = array<i32>} : memref<512xf32, #tpu.memory_space<vmem>>, vector<16xf32>,
    tpu.vector_store %arg10[%swap3A_227], %div3A_226 {strides = array<i32>} : memref<512xf32, #tpu.memory_space<vmem>>, vector<16xf32>,
    %get3A_229 = arith.constant 128 : index
    %get3A_230 = tpu.vector_load %arg8[%get3A_229] {strides = array<i32>} : memref<512xf32, #tpu.memory_space<vmem>>, vector<16xf32>,
    %get3A_231 = arith.constant 128 : index
    %get3A_232 = tpu.vector_load %arg9[%get3A_231] {strides = array<i32>} : memref<512xf32, #tpu.memory_space<vmem>>, vector<16xf32>,
    %add3A_233 = arith.addf %get3A_230, %get3A_232 : vector<16xf32>
    %neg3A_234 = arith.constant 0.000000e+00 : f32
    %neg3A_235 = vector.broadcast %neg3A_234 : f32 to vector<16xf32>
    %neg3A_236 = arith.subf %neg3A_235, %add3A_233 : vector<16xf32>
    %exp3A_237 = math.exp %neg3A_236 : vector<16xf32>
    %add3A_238 = arith.constant 1.000000e+00 : f32
    %add3A_239 = vector.broadcast %add3A_238 : f32 to vector<16xf32>
    %add3A_240 = arith.addf %add3A_239, %exp3A_237 : vector<16xf32>
    %div3A_241 = arith.constant 1.000000e+00 : f32
    %div3A_242 = vector.broadcast %div3A_241 : f32 to vector<16xf32>
    %div3A_243 = arith.divf %div3A_242, %add3A_240 : vector<16xf32>
    %swap3A_244 = arith.constant 128 : index
    %swap3A_245 = tpu.vector_load %arg10[%swap3A_244] {strides = array<i32>} : memref<512xf32, #tpu.memory_space<vmem>>, vector<16xf32>,
    tpu.vector_store %arg10[%swap3A_244], %div3A_243 {strides = array<i32>} : memref<512xf32, #tpu.memory_space<vmem>>, vector<16xf32>,
    %get3A_246 = arith.constant 144 : index
    %get3A_247 = tpu.vector_load %arg8[%get3A_246] {strides = array<i32>} : memref<512xf32, #tpu.memory_space<vmem>>, vector<16xf32>,
    %get3A_248 = arith.constant 144 : index
    %get3A_249 = tpu.vector_load %arg9[%get3A_248] {strides = array<i32>} : memref<512xf32, #tpu.memory_space<vmem>>, vector<16xf32>,
    %add3A_250 = arith.addf %get3A_247, %get3A_249 : vector<16xf32>
    %neg3A_251 = arith.constant 0.000000e+00 : f32
    %neg3A_252 = vector.broadcast %neg3A_251 : f32 to vector<16xf32>
    %neg3A_253 = arith.subf %neg3A_252, %add3A_250 : vector<16xf32>
    %exp3A_254 = math.exp %neg3A_253 : vector<16xf32>
    %add3A_255 = arith.constant 1.000000e+00 : f32
    %add3A_256 = vector.broadcast %add3A_255 : f32 to vector<16xf32>
    %add3A_257 = arith.addf %add3A_256, %exp3A_254 : vector<16xf32>
    %div3A_258 = arith.constant 1.000000e+00 : f32
    %div3A_259 = vector.broadcast %div3A_258 : f32 to vector<16xf32>
    %div3A_260 = arith.divf %div3A_259, %add3A_257 : vector<16xf32>
    %swap3A_261 = arith.constant 144 : index
    %swap3A_262 = tpu.vector_load %arg10[%swap3A_261] {strides = array<i32>} : memref<512xf32, #tpu.memory_space<vmem>>, vector<16xf32>,
    tpu.vector_store %arg10[%swap3A_261], %div3A_260 {strides = array<i32>} : memref<512xf32, #tpu.memory_space<vmem>>, vector<16xf32>,
    %get3A_263 = arith.constant 160 : index
    %get3A_264 = tpu.vector_load %arg8[%get3A_263] {strides = array<i32>} : memref<512xf32, #tpu.memory_space<vmem>>, vector<16xf32>,
    %get3A_265 = arith.constant 160 : index
    %get3A_266 = tpu.vector_load %arg9[%get3A_265] {strides = array<i32>} : memref<512xf32, #tpu.memory_space<vmem>>, vector<16xf32>,
    %add3A_267 = arith.addf %get3A_264, %get3A_266 : vector<16xf32>
    %neg3A_268 = arith.constant 0.000000e+00 : f32
    %neg3A_269 = vector.broadcast %neg3A_268 : f32 to vector<16xf32>
    %neg3A_270 = arith.subf %neg3A_269, %add3A_267 : vector<16xf32>
    %exp3A_271 = math.exp %neg3A_270 : vector<16xf32>
    %add3A_272 = arith.constant 1.000000e+00 : f32
    %add3A_273 = vector.broadcast %add3A_272 : f32 to vector<16xf32>
    %add3A_274 = arith.addf %add3A_273, %exp3A_271 : vector<16xf32>
    %div3A_275 = arith.constant 1.000000e+00 : f32
    %div3A_276 = vector.broadcast %div3A_275 : f32 to vector<16xf32>
    %div3A_277 = arith.divf %div3A_276, %add3A_274 : vector<16xf32>
    %swap3A_278 = arith.constant 160 : index
    %swap3A_279 = tpu.vector_load %arg10[%swap3A_278] {strides = array<i32>} : memref<512xf32, #tpu.memory_space<vmem>>, vector<16xf32>,
    tpu.vector_store %arg10[%swap3A_278], %div3A_277 {strides = array<i32>} : memref<512xf32, #tpu.memory_space<vmem>>, vector<16xf32>,
    %get3A_280 = arith.constant 176 : index
    %get3A_281 = tpu.vector_load %arg8[%get3A_280] {strides = array<i32>} : memref<512xf32, #tpu.memory_space<vmem>>, vector<16xf32>,
    %get3A_282 = arith.constant 176 : index
    %get3A_283 = tpu.vector_load %arg9[%get3A_282] {strides = array<i32>} : memref<512xf32, #tpu.memory_space<vmem>>, vector<16xf32>,
    %add3A_284 = arith.addf %get3A_281, %get3A_283 : vector<16xf32>
    %neg3A_285 = arith.constant 0.000000e+00 : f32
    %neg3A_286 = vector.broadcast %neg3A_285 : f32 to vector<16xf32>
    %neg3A_287 = arith.subf %neg3A_286, %add3A_284 : vector<16xf32>
    %exp3A_288 = math.exp %neg3A_287 : vector<16xf32>
    %add3A_289 = arith.constant 1.000000e+00 : f32
    %add3A_290 = vector.broadcast %add3A_289 : f32 to vector<16xf32>
    %add3A_291 = arith.addf %add3A_290, %exp3A_288 : vector<16xf32>
    %div3A_292 = arith.constant 1.000000e+00 : f32
    %div3A_293 = vector.broadcast %div3A_292 : f32 to vector<16xf32>
    %div3A_294 = arith.divf %div3A_293, %add3A_291 : vector<16xf32>
    %swap3A_295 = arith.constant 176 : index
    %swap3A_296 = tpu.vector_load %arg10[%swap3A_295] {strides = array<i32>} : memref<512xf32, #tpu.memory_space<vmem>>, vector<16xf32>,
    tpu.vector_store %arg10[%swap3A_295], %div3A_294 {strides = array<i32>} : memref<512xf32, #tpu.memory_space<vmem>>, vector<16xf32>,
    %get3A_297 = arith.constant 192 : index
    %get3A_298 = tpu.vector_load %arg8[%get3A_297] {strides = array<i32>} : memref<512xf32, #tpu.memory_space<vmem>>, vector<16xf32>,
    %get3A_299 = arith.constant 192 : index
    %get3A_300 = tpu.vector_load %arg9[%get3A_299] {strides = array<i32>} : memref<512xf32, #tpu.memory_space<vmem>>, vector<16xf32>,
    %add3A_301 = arith.addf %get3A_298, %get3A_300 : vector<16xf32>
    %neg3A_302 = arith.constant 0.000000e+00 : f32
    %neg3A_303 = vector.broadcast %neg3A_302 : f32 to vector<16xf32>
    %neg3A_304 = arith.subf %neg3A_303, %add3A_301 : vector<16xf32>
    %exp3A_305 = math.exp %neg3A_304 : vector<16xf32>
    %add3A_306 = arith.constant 1.000000e+00 : f32
    %add3A_307 = vector.broadcast %add3A_306 : f32 to vector<16xf32>
    %add3A_308 = arith.addf %add3A_307, %exp3A_305 : vector<16xf32>
    %div3A_309 = arith.constant 1.000000e+00 : f32
    %div3A_310 = vector.broadcast %div3A_309 : f32 to vector<16xf32>
    %div3A_311 = arith.divf %div3A_310, %add3A_308 : vector<16xf32>
    %swap3A_312 = arith.constant 192 : index
    %swap3A_313 = tpu.vector_load %arg10[%swap3A_312] {strides = array<i32>} : memref<512xf32, #tpu.memory_space<vmem>>, vector<16xf32>,
    tpu.vector_store %arg10[%swap3A_312], %div3A_311 {strides = array<i32>} : memref<512xf32, #tpu.memory_space<vmem>>, vector<16xf32>,
    %get3A_314 = arith.constant 208 : index
    %get3A_315 = tpu.vector_load %arg8[%get3A_314] {strides = array<i32>} : memref<512xf32, #tpu.memory_space<vmem>>, vector<16xf32>,
    %get3A_316 = arith.constant 208 : index
    %get3A_317 = tpu.vector_load %arg9[%get3A_316] {strides = array<i32>} : memref<512xf32, #tpu.memory_space<vmem>>, vector<16xf32>,
    %add3A_318 = arith.addf %get3A_315, %get3A_317 : vector<16xf32>
    %neg3A_319 = arith.constant 0.000000e+00 : f32
    %neg3A_320 = vector.broadcast %neg3A_319 : f32 to vector<16xf32>
    %neg3A_321 = arith.subf %neg3A_320, %add3A_318 : vector<16xf32>
    %exp3A_322 = math.exp %neg3A_321 : vector<16xf32>
    %add3A_323 = arith.constant 1.000000e+00 : f32
    %add3A_324 = vector.broadcast %add3A_323 : f32 to vector<16xf32>
    %add3A_325 = arith.addf %add3A_324, %exp3A_322 : vector<16xf32>
    %div3A_326 = arith.constant 1.000000e+00 : f32
    %div3A_327 = vector.broadcast %div3A_326 : f32 to vector<16xf32>
    %div3A_328 = arith.divf %div3A_327, %add3A_325 : vector<16xf32>
    %swap3A_329 = arith.constant 208 : index
    %swap3A_330 = tpu.vector_load %arg10[%swap3A_329] {strides = array<i32>} : memref<512xf32, #tpu.memory_space<vmem>>, vector<16xf32>,
    tpu.vector_store %arg10[%swap3A_329], %div3A_328 {strides = array<i32>} : memref<512xf32, #tpu.memory_space<vmem>>, vector<16xf32>,
    %get3A_331 = arith.constant 224 : index
    %get3A_332 = tpu.vector_load %arg8[%get3A_331] {strides = array<i32>} : memref<512xf32, #tpu.memory_space<vmem>>, vector<16xf32>,
    %get3A_333 = arith.constant 224 : index
    %get3A_334 = tpu.vector_load %arg9[%get3A_333] {strides = array<i32>} : memref<512xf32, #tpu.memory_space<vmem>>, vector<16xf32>,
    %add3A_335 = arith.addf %get3A_332, %get3A_334 : vector<16xf32>
    %neg3A_336 = arith.constant 0.000000e+00 : f32
    %neg3A_337 = vector.broadcast %neg3A_336 : f32 to vector<16xf32>
    %neg3A_338 = arith.subf %neg3A_337, %add3A_335 : vector<16xf32>
    %exp3A_339 = math.exp %neg3A_338 : vector<16xf32>
    %add3A_340 = arith.constant 1.000000e+00 : f32
    %add3A_341 = vector.broadcast %add3A_340 : f32 to vector<16xf32>
    %add3A_342 = arith.addf %add3A_341, %exp3A_339 : vector<16xf32>
    %div3A_343 = arith.constant 1.000000e+00 : f32
    %div3A_344 = vector.broadcast %div3A_343 : f32 to vector<16xf32>
    %div3A_345 = arith.divf %div3A_344, %add3A_342 : vector<16xf32>
    %swap3A_346 = arith.constant 224 : index
    %swap3A_347 = tpu.vector_load %arg10[%swap3A_346] {strides = array<i32>} : memref<512xf32, #tpu.memory_space<vmem>>, vector<16xf32>,
    tpu.vector_store %arg10[%swap3A_346], %div3A_345 {strides = array<i32>} : memref<512xf32, #tpu.memory_space<vmem>>, vector<16xf32>,
    %get3A_348 = arith.constant 240 : index
    %get3A_349 = tpu.vector_load %arg8[%get3A_348] {strides = array<i32>} : memref<512xf32, #tpu.memory_space<vmem>>, vector<16xf32>,
    %get3A_350 = arith.constant 240 : index
    %get3A_351 = tpu.vector_load %arg9[%get3A_350] {strides = array<i32>} : memref<512xf32, #tpu.memory_space<vmem>>, vector<16xf32>,
    %add3A_352 = arith.addf %get3A_349, %get3A_351 : vector<16xf32>
    %neg3A_353 = arith.constant 0.000000e+00 : f32
    %neg3A_354 = vector.broadcast %neg3A_353 : f32 to vector<16xf32>
    %neg3A_355 = arith.subf %neg3A_354, %add3A_352 : vector<16xf32>
    %exp3A_356 = math.exp %neg3A_355 : vector<16xf32>
    %add3A_357 = arith.constant 1.000000e+00 : f32
    %add3A_358 = vector.broadcast %add3A_357 : f32 to vector<16xf32>
    %add3A_359 = arith.addf %add3A_358, %exp3A_356 : vector<16xf32>
    %div3A_360 = arith.constant 1.000000e+00 : f32
    %div3A_361 = vector.broadcast %div3A_360 : f32 to vector<16xf32>
    %div3A_362 = arith.divf %div3A_361, %add3A_359 : vector<16xf32>
    %swap3A_363 = arith.constant 240 : index
    %swap3A_364 = tpu.vector_load %arg10[%swap3A_363] {strides = array<i32>} : memref<512xf32, #tpu.memory_space<vmem>>, vector<16xf32>,
    tpu.vector_store %arg10[%swap3A_363], %div3A_362 {strides = array<i32>} : memref<512xf32, #tpu.memory_space<vmem>>, vector<16xf32>,
    %get3A_365 = arith.constant 256 : index
    %get3A_366 = tpu.vector_load %arg8[%get3A_365] {strides = array<i32>} : memref<512xf32, #tpu.memory_space<vmem>>, vector<16xf32>,
    %get3A_367 = arith.constant 256 : index
    %get3A_368 = tpu.vector_load %arg9[%get3A_367] {strides = array<i32>} : memref<512xf32, #tpu.memory_space<vmem>>, vector<16xf32>,
    %add3A_369 = arith.addf %get3A_366, %get3A_368 : vector<16xf32>
    %neg3A_370 = arith.constant 0.000000e+00 : f32
    %neg3A_371 = vector.broadcast %neg3A_370 : f32 to vector<16xf32>
    %neg3A_372 = arith.subf %neg3A_371, %add3A_369 : vector<16xf32>
    %exp3A_373 = math.exp %neg3A_372 : vector<16xf32>
    %add3A_374 = arith.constant 1.000000e+00 : f32
    %add3A_375 = vector.broadcast %add3A_374 : f32 to vector<16xf32>
    %add3A_376 = arith.addf %add3A_375, %exp3A_373 : vector<16xf32>
    %div3A_377 = arith.constant 1.000000e+00 : f32
    %div3A_378 = vector.broadcast %div3A_377 : f32 to vector<16xf32>
    %div3A_379 = arith.divf %div3A_378, %add3A_376 : vector<16xf32>
    %swap3A_380 = arith.constant 256 : index
    %swap3A_381 = tpu.vector_load %arg10[%swap3A_380] {strides = array<i32>} : memref<512xf32, #tpu.memory_space<vmem>>, vector<16xf32>,
    tpu.vector_store %arg10[%swap3A_380], %div3A_379 {strides = array<i32>} : memref<512xf32, #tpu.memory_space<vmem>>, vector<16xf32>,
    %get3A_382 = arith.constant 272 : index
    %get3A_383 = tpu.vector_load %arg8[%get3A_382] {strides = array<i32>} : memref<512xf32, #tpu.memory_space<vmem>>, vector<16xf32>,
    %get3A_384 = arith.constant 272 : index
    %get3A_385 = tpu.vector_load %arg9[%get3A_384] {strides = array<i32>} : memref<512xf32, #tpu.memory_space<vmem>>, vector<16xf32>,
    %add3A_386 = arith.addf %get3A_383, %get3A_385 : vector<16xf32>
    %neg3A_387 = arith.constant 0.000000e+00 : f32
    %neg3A_388 = vector.broadcast %neg3A_387 : f32 to vector<16xf32>
    %neg3A_389 = arith.subf %neg3A_388, %add3A_386 : vector<16xf32>
    %exp3A_390 = math.exp %neg3A_389 : vector<16xf32>
    %add3A_391 = arith.constant 1.000000e+00 : f32
    %add3A_392 = vector.broadcast %add3A_391 : f32 to vector<16xf32>
    %add3A_393 = arith.addf %add3A_392, %exp3A_390 : vector<16xf32>
    %div3A_394 = arith.constant 1.000000e+00 : f32
    %div3A_395 = vector.broadcast %div3A_394 : f32 to vector<16xf32>
    %div3A_396 = arith.divf %div3A_395, %add3A_393 : vector<16xf32>
    %swap3A_397 = arith.constant 272 : index
    %swap3A_398 = tpu.vector_load %arg10[%swap3A_397] {strides = array<i32>} : memref<512xf32, #tpu.memory_space<vmem>>, vector<16xf32>,
    tpu.vector_store %arg10[%swap3A_397], %div3A_396 {strides = array<i32>} : memref<512xf32, #tpu.memory_space<vmem>>, vector<16xf32>,
    %get3A_399 = arith.constant 288 : index
    %get3A_400 = tpu.vector_load %arg8[%get3A_399] {strides = array<i32>} : memref<512xf32, #tpu.memory_space<vmem>>, vector<16xf32>,
    %get3A_401 = arith.constant 288 : index
    %get3A_402 = tpu.vector_load %arg9[%get3A_401] {strides = array<i32>} : memref<512xf32, #tpu.memory_space<vmem>>, vector<16xf32>,
    %add3A_403 = arith.addf %get3A_400, %get3A_402 : vector<16xf32>
    %neg3A_404 = arith.constant 0.000000e+00 : f32
    %neg3A_405 = vector.broadcast %neg3A_404 : f32 to vector<16xf32>
    %neg3A_406 = arith.subf %neg3A_405, %add3A_403 : vector<16xf32>
    %exp3A_407 = math.exp %neg3A_406 : vector<16xf32>
    %add3A_408 = arith.constant 1.000000e+00 : f32
    %add3A_409 = vector.broadcast %add3A_408 : f32 to vector<16xf32>
    %add3A_410 = arith.addf %add3A_409, %exp3A_407 : vector<16xf32>
    %div3A_411 = arith.constant 1.000000e+00 : f32
    %div3A_412 = vector.broadcast %div3A_411 : f32 to vector<16xf32>
    %div3A_413 = arith.divf %div3A_412, %add3A_410 : vector<16xf32>
    %swap3A_414 = arith.constant 288 : index
    %swap3A_415 = tpu.vector_load %arg10[%swap3A_414] {strides = array<i32>} : memref<512xf32, #tpu.memory_space<vmem>>, vector<16xf32>,
    tpu.vector_store %arg10[%swap3A_414], %div3A_413 {strides = array<i32>} : memref<512xf32, #tpu.memory_space<vmem>>, vector<16xf32>,
    %get3A_416 = arith.constant 304 : index
    %get3A_417 = tpu.vector_load %arg8[%get3A_416] {strides = array<i32>} : memref<512xf32, #tpu.memory_space<vmem>>, vector<16xf32>,
    %get3A_418 = arith.constant 304 : index
    %get3A_419 = tpu.vector_load %arg9[%get3A_418] {strides = array<i32>} : memref<512xf32, #tpu.memory_space<vmem>>, vector<16xf32>,
    %add3A_420 = arith.addf %get3A_417, %get3A_419 : vector<16xf32>
    %neg3A_421 = arith.constant 0.000000e+00 : f32
    %neg3A_422 = vector.broadcast %neg3A_421 : f32 to vector<16xf32>
    %neg3A_423 = arith.subf %neg3A_422, %add3A_420 : vector<16xf32>
    %exp3A_424 = math.exp %neg3A_423 : vector<16xf32>
    %add3A_425 = arith.constant 1.000000e+00 : f32
    %add3A_426 = vector.broadcast %add3A_425 : f32 to vector<16xf32>
    %add3A_427 = arith.addf %add3A_426, %exp3A_424 : vector<16xf32>
    %div3A_428 = arith.constant 1.000000e+00 : f32
    %div3A_429 = vector.broadcast %div3A_428 : f32 to vector<16xf32>
    %div3A_430 = arith.divf %div3A_429, %add3A_427 : vector<16xf32>
    %swap3A_431 = arith.constant 304 : index
    %swap3A_432 = tpu.vector_load %arg10[%swap3A_431] {strides = array<i32>} : memref<512xf32, #tpu.memory_space<vmem>>, vector<16xf32>,
    tpu.vector_store %arg10[%swap3A_431], %div3A_430 {strides = array<i32>} : memref<512xf32, #tpu.memory_space<vmem>>, vector<16xf32>,
    %get3A_433 = arith.constant 320 : index
    %get3A_434 = tpu.vector_load %arg8[%get3A_433] {strides = array<i32>} : memref<512xf32, #tpu.memory_space<vmem>>, vector<16xf32>,
    %get3A_435 = arith.constant 320 : index
    %get3A_436 = tpu.vector_load %arg9[%get3A_435] {strides = array<i32>} : memref<512xf32, #tpu.memory_space<vmem>>, vector<16xf32>,
    %add3A_437 = arith.addf %get3A_434, %get3A_436 : vector<16xf32>
    %neg3A_438 = arith.constant 0.000000e+00 : f32
    %neg3A_439 = vector.broadcast %neg3A_438 : f32 to vector<16xf32>
    %neg3A_440 = arith.subf %neg3A_439, %add3A_437 : vector<16xf32>
    %exp3A_441 = math.exp %neg3A_440 : vector<16xf32>
    %add3A_442 = arith.constant 1.000000e+00 : f32
    %add3A_443 = vector.broadcast %add3A_442 : f32 to vector<16xf32>
    %add3A_444 = arith.addf %add3A_443, %exp3A_441 : vector<16xf32>
    %div3A_445 = arith.constant 1.000000e+00 : f32
    %div3A_446 = vector.broadcast %div3A_445 : f32 to vector<16xf32>
    %div3A_447 = arith.divf %div3A_446, %add3A_444 : vector<16xf32>
    %swap3A_448 = arith.constant 320 : index
    %swap3A_449 = tpu.vector_load %arg10[%swap3A_448] {strides = array<i32>} : memref<512xf32, #tpu.memory_space<vmem>>, vector<16xf32>,
    tpu.vector_store %arg10[%swap3A_448], %div3A_447 {strides = array<i32>} : memref<512xf32, #tpu.memory_space<vmem>>, vector<16xf32>,
    %get3A_450 = arith.constant 336 : index
    %get3A_451 = tpu.vector_load %arg8[%get3A_450] {strides = array<i32>} : memref<512xf32, #tpu.memory_space<vmem>>, vector<16xf32>,
    %get3A_452 = arith.constant 336 : index
    %get3A_453 = tpu.vector_load %arg9[%get3A_452] {strides = array<i32>} : memref<512xf32, #tpu.memory_space<vmem>>, vector<16xf32>,
    %add3A_454 = arith.addf %get3A_451, %get3A_453 : vector<16xf32>
    %neg3A_455 = arith.constant 0.000000e+00 : f32
    %neg3A_456 = vector.broadcast %neg3A_455 : f32 to vector<16xf32>
    %neg3A_457 = arith.subf %neg3A_456, %add3A_454 : vector<16xf32>
    %exp3A_458 = math.exp %neg3A_457 : vector<16xf32>
    %add3A_459 = arith.constant 1.000000e+00 : f32
    %add3A_460 = vector.broadcast %add3A_459 : f32 to vector<16xf32>
    %add3A_461 = arith.addf %add3A_460, %exp3A_458 : vector<16xf32>
    %div3A_462 = arith.constant 1.000000e+00 : f32
    %div3A_463 = vector.broadcast %div3A_462 : f32 to vector<16xf32>
    %div3A_464 = arith.divf %div3A_463, %add3A_461 : vector<16xf32>
    %swap3A_465 = arith.constant 336 : index
    %swap3A_466 = tpu.vector_load %arg10[%swap3A_465] {strides = array<i32>} : memref<512xf32, #tpu.memory_space<vmem>>, vector<16xf32>,
    tpu.vector_store %arg10[%swap3A_465], %div3A_464 {strides = array<i32>} : memref<512xf32, #tpu.memory_space<vmem>>, vector<16xf32>,
    %get3A_467 = arith.constant 352 : index
    %get3A_468 = tpu.vector_load %arg8[%get3A_467] {strides = array<i32>} : memref<512xf32, #tpu.memory_space<vmem>>, vector<16xf32>,
    %get3A_469 = arith.constant 352 : index
    %get3A_470 = tpu.vector_load %arg9[%get3A_469] {strides = array<i32>} : memref<512xf32, #tpu.memory_space<vmem>>, vector<16xf32>,
    %add3A_471 = arith.addf %get3A_468, %get3A_470 : vector<16xf32>
    %neg3A_472 = arith.constant 0.000000e+00 : f32
    %neg3A_473 = vector.broadcast %neg3A_472 : f32 to vector<16xf32>
    %neg3A_474 = arith.subf %neg3A_473, %add3A_471 : vector<16xf32>
    %exp3A_475 = math.exp %neg3A_474 : vector<16xf32>
    %add3A_476 = arith.constant 1.000000e+00 : f32
    %add3A_477 = vector.broadcast %add3A_476 : f32 to vector<16xf32>
    %add3A_478 = arith.addf %add3A_477, %exp3A_475 : vector<16xf32>
    %div3A_479 = arith.constant 1.000000e+00 : f32
    %div3A_480 = vector.broadcast %div3A_479 : f32 to vector<16xf32>
    %div3A_481 = arith.divf %div3A_480, %add3A_478 : vector<16xf32>
    %swap3A_482 = arith.constant 352 : index
    %swap3A_483 = tpu.vector_load %arg10[%swap3A_482] {strides = array<i32>} : memref<512xf32, #tpu.memory_space<vmem>>, vector<16xf32>,
    tpu.vector_store %arg10[%swap3A_482], %div3A_481 {strides = array<i32>} : memref<512xf32, #tpu.memory_space<vmem>>, vector<16xf32>,
    %get3A_484 = arith.constant 368 : index
    %get3A_485 = tpu.vector_load %arg8[%get3A_484] {strides = array<i32>} : memref<512xf32, #tpu.memory_space<vmem>>, vector<16xf32>,
    %get3A_486 = arith.constant 368 : index
    %get3A_487 = tpu.vector_load %arg9[%get3A_486] {strides = array<i32>} : memref<512xf32, #tpu.memory_space<vmem>>, vector<16xf32>,
    %add3A_488 = arith.addf %get3A_485, %get3A_487 : vector<16xf32>
    %neg3A_489 = arith.constant 0.000000e+00 : f32
    %neg3A_490 = vector.broadcast %neg3A_489 : f32 to vector<16xf32>
    %neg3A_491 = arith.subf %neg3A_490, %add3A_488 : vector<16xf32>
    %exp3A_492 = math.exp %neg3A_491 : vector<16xf32>
    %add3A_493 = arith.constant 1.000000e+00 : f32
    %add3A_494 = vector.broadcast %add3A_493 : f32 to vector<16xf32>
    %add3A_495 = arith.addf %add3A_494, %exp3A_492 : vector<16xf32>
    %div3A_496 = arith.constant 1.000000e+00 : f32
    %div3A_497 = vector.broadcast %div3A_496 : f32 to vector<16xf32>
    %div3A_498 = arith.divf %div3A_497, %add3A_495 : vector<16xf32>
    %swap3A_499 = arith.constant 368 : index
    %swap3A_500 = tpu.vector_load %arg10[%swap3A_499] {strides = array<i32>} : memref<512xf32, #tpu.memory_space<vmem>>, vector<16xf32>,
    tpu.vector_store %arg10[%swap3A_499], %div3A_498 {strides = array<i32>} : memref<512xf32, #tpu.memory_space<vmem>>, vector<16xf32>,
    %get3A_501 = arith.constant 384 : index
    %get3A_502 = tpu.vector_load %arg8[%get3A_501] {strides = array<i32>} : memref<512xf32, #tpu.memory_space<vmem>>, vector<16xf32>,
    %get3A_503 = arith.constant 384 : index
    %get3A_504 = tpu.vector_load %arg9[%get3A_503] {strides = array<i32>} : memref<512xf32, #tpu.memory_space<vmem>>, vector<16xf32>,
    %add3A_505 = arith.addf %get3A_502, %get3A_504 : vector<16xf32>
    %neg3A_506 = arith.constant 0.000000e+00 : f32
    %neg3A_507 = vector.broadcast %neg3A_506 : f32 to vector<16xf32>
    %neg3A_508 = arith.subf %neg3A_507, %add3A_505 : vector<16xf32>
    %exp3A_509 = math.exp %neg3A_508 : vector<16xf32>
    %add3A_510 = arith.constant 1.000000e+00 : f32
    %add3A_511 = vector.broadcast %add3A_510 : f32 to vector<16xf32>
    %add3A_512 = arith.addf %add3A_511, %exp3A_509 : vector<16xf32>
    %div3A_513 = arith.constant 1.000000e+00 : f32
    %div3A_514 = vector.broadcast %div3A_513 : f32 to vector<16xf32>
    %div3A_515 = arith.divf %div3A_514, %add3A_512 : vector<16xf32>
    %swap3A_516 = arith.constant 384 : index
    %swap3A_517 = tpu.vector_load %arg10[%swap3A_516] {strides = array<i32>} : memref<512xf32, #tpu.memory_space<vmem>>, vector<16xf32>,
    tpu.vector_store %arg10[%swap3A_516], %div3A_515 {strides = array<i32>} : memref<512xf32, #tpu.memory_space<vmem>>, vector<16xf32>,
    %get3A_518 = arith.constant 400 : index
    %get3A_519 = tpu.vector_load %arg8[%get3A_518] {strides = array<i32>} : memref<512xf32, #tpu.memory_space<vmem>>, vector<16xf32>,
    %get3A_520 = arith.constant 400 : index
    %get3A_521 = tpu.vector_load %arg9[%get3A_520] {strides = array<i32>} : memref<512xf32, #tpu.memory_space<vmem>>, vector<16xf32>,
    %add3A_522 = arith.addf %get3A_519, %get3A_521 : vector<16xf32>
    %neg3A_523 = arith.constant 0.000000e+00 : f32
    %neg3A_524 = vector.broadcast %neg3A_523 : f32 to vector<16xf32>
    %neg3A_525 = arith.subf %neg3A_524, %add3A_522 : vector<16xf32>
    %exp3A_526 = math.exp %neg3A_525 : vector<16xf32>
    %add3A_527 = arith.constant 1.000000e+00 : f32
    %add3A_528 = vector.broadcast %add3A_527 : f32 to vector<16xf32>
    %add3A_529 = arith.addf %add3A_528, %exp3A_526 : vector<16xf32>
    %div3A_530 = arith.constant 1.000000e+00 : f32
    %div3A_531 = vector.broadcast %div3A_530 : f32 to vector<16xf32>
    %div3A_532 = arith.divf %div3A_531, %add3A_529 : vector<16xf32>
    %swap3A_533 = arith.constant 400 : index
    %swap3A_534 = tpu.vector_load %arg10[%swap3A_533] {strides = array<i32>} : memref<512xf32, #tpu.memory_space<vmem>>, vector<16xf32>,
    tpu.vector_store %arg10[%swap3A_533], %div3A_532 {strides = array<i32>} : memref<512xf32, #tpu.memory_space<vmem>>, vector<16xf32>,
    %get3A_535 = arith.constant 416 : index
    %get3A_536 = tpu.vector_load %arg8[%get3A_535] {strides = array<i32>} : memref<512xf32, #tpu.memory_space<vmem>>, vector<16xf32>,
    %get3A_537 = arith.constant 416 : index
    %get3A_538 = tpu.vector_load %arg9[%get3A_537] {strides = array<i32>} : memref<512xf32, #tpu.memory_space<vmem>>, vector<16xf32>,
    %add3A_539 = arith.addf %get3A_536, %get3A_538 : vector<16xf32>
    %neg3A_540 = arith.constant 0.000000e+00 : f32
    %neg3A_541 = vector.broadcast %neg3A_540 : f32 to vector<16xf32>
    %neg3A_542 = arith.subf %neg3A_541, %add3A_539 : vector<16xf32>
    %exp3A_543 = math.exp %neg3A_542 : vector<16xf32>
    %add3A_544 = arith.constant 1.000000e+00 : f32
    %add3A_545 = vector.broadcast %add3A_544 : f32 to vector<16xf32>
    %add3A_546 = arith.addf %add3A_545, %exp3A_543 : vector<16xf32>
    %div3A_547 = arith.constant 1.000000e+00 : f32
    %div3A_548 = vector.broadcast %div3A_547 : f32 to vector<16xf32>
    %div3A_549 = arith.divf %div3A_548, %add3A_546 : vector<16xf32>
    %swap3A_550 = arith.constant 416 : index
    %swap3A_551 = tpu.vector_load %arg10[%swap3A_550] {strides = array<i32>} : memref<512xf32, #tpu.memory_space<vmem>>, vector<16xf32>,
    tpu.vector_store %arg10[%swap3A_550], %div3A_549 {strides = array<i32>} : memref<512xf32, #tpu.memory_space<vmem>>, vector<16xf32>,
    %get3A_552 = arith.constant 432 : index
    %get3A_553 = tpu.vector_load %arg8[%get3A_552] {strides = array<i32>} : memref<512xf32, #tpu.memory_space<vmem>>, vector<16xf32>,
    %get3A_554 = arith.constant 432 : index
    %get3A_555 = tpu.vector_load %arg9[%get3A_554] {strides = array<i32>} : memref<512xf32, #tpu.memory_space<vmem>>, vector<16xf32>,
    %add3A_556 = arith.addf %get3A_553, %get3A_555 : vector<16xf32>
    %neg3A_557 = arith.constant 0.000000e+00 : f32
    %neg3A_558 = vector.broadcast %neg3A_557 : f32 to vector<16xf32>
    %neg3A_559 = arith.subf %neg3A_558, %add3A_556 : vector<16xf32>
    %exp3A_560 = math.exp %neg3A_559 : vector<16xf32>
    %add3A_561 = arith.constant 1.000000e+00 : f32
    %add3A_562 = vector.broadcast %add3A_561 : f32 to vector<16xf32>
    %add3A_563 = arith.addf %add3A_562, %exp3A_560 : vector<16xf32>
    %div3A_564 = arith.constant 1.000000e+00 : f32
    %div3A_565 = vector.broadcast %div3A_564 : f32 to vector<16xf32>
    %div3A_566 = arith.divf %div3A_565, %add3A_563 : vector<16xf32>
    %swap3A_567 = arith.constant 432 : index
    %swap3A_568 = tpu.vector_load %arg10[%swap3A_567] {strides = array<i32>} : memref<512xf32, #tpu.memory_space<vmem>>, vector<16xf32>,
    tpu.vector_store %arg10[%swap3A_567], %div3A_566 {strides = array<i32>} : memref<512xf32, #tpu.memory_space<vmem>>, vector<16xf32>,
    %get3A_569 = arith.constant 448 : index
    %get3A_570 = tpu.vector_load %arg8[%get3A_569] {strides = array<i32>} : memref<512xf32, #tpu.memory_space<vmem>>, vector<16xf32>,
    %get3A_571 = arith.constant 448 : index
    %get3A_572 = tpu.vector_load %arg9[%get3A_571] {strides = array<i32>} : memref<512xf32, #tpu.memory_space<vmem>>, vector<16xf32>,
    %add3A_573 = arith.addf %get3A_570, %get3A_572 : vector<16xf32>
    %neg3A_574 = arith.constant 0.000000e+00 : f32
    %neg3A_575 = vector.broadcast %neg3A_574 : f32 to vector<16xf32>
    %neg3A_576 = arith.subf %neg3A_575, %add3A_573 : vector<16xf32>
    %exp3A_577 = math.exp %neg3A_576 : vector<16xf32>
    %add3A_578 = arith.constant 1.000000e+00 : f32
    %add3A_579 = vector.broadcast %add3A_578 : f32 to vector<16xf32>
    %add3A_580 = arith.addf %add3A_579, %exp3A_577 : vector<16xf32>
    %div3A_581 = arith.constant 1.000000e+00 : f32
    %div3A_582 = vector.broadcast %div3A_581 : f32 to vector<16xf32>
    %div3A_583 = arith.divf %div3A_582, %add3A_580 : vector<16xf32>
    %swap3A_584 = arith.constant 448 : index
    %swap3A_585 = tpu.vector_load %arg10[%swap3A_584] {strides = array<i32>} : memref<512xf32, #tpu.memory_space<vmem>>, vector<16xf32>,
    tpu.vector_store %arg10[%swap3A_584], %div3A_583 {strides = array<i32>} : memref<512xf32, #tpu.memory_space<vmem>>, vector<16xf32>,
    %get3A_586 = arith.constant 464 : index
    %get3A_587 = tpu.vector_load %arg8[%get3A_586] {strides = array<i32>} : memref<512xf32, #tpu.memory_space<vmem>>, vector<16xf32>,
    %get3A_588 = arith.constant 464 : index
    %get3A_589 = tpu.vector_load %arg9[%get3A_588] {strides = array<i32>} : memref<512xf32, #tpu.memory_space<vmem>>, vector<16xf32>,
    %add3A_590 = arith.addf %get3A_587, %get3A_589 : vector<16xf32>
    %neg3A_591 = arith.constant 0.000000e+00 : f32
    %neg3A_592 = vector.broadcast %neg3A_591 : f32 to vector<16xf32>
    %neg3A_593 = arith.subf %neg3A_592, %add3A_590 : vector<16xf32>
    %exp3A_594 = math.exp %neg3A_593 : vector<16xf32>
    %add3A_595 = arith.constant 1.000000e+00 : f32
    %add3A_596 = vector.broadcast %add3A_595 : f32 to vector<16xf32>
    %add3A_597 = arith.addf %add3A_596, %exp3A_594 : vector<16xf32>
    %div3A_598 = arith.constant 1.000000e+00 : f32
    %div3A_599 = vector.broadcast %div3A_598 : f32 to vector<16xf32>
    %div3A_600 = arith.divf %div3A_599, %add3A_597 : vector<16xf32>
    %swap3A_601 = arith.constant 464 : index
    %swap3A_602 = tpu.vector_load %arg10[%swap3A_601] {strides = array<i32>} : memref<512xf32, #tpu.memory_space<vmem>>, vector<16xf32>,
    tpu.vector_store %arg10[%swap3A_601], %div3A_600 {strides = array<i32>} : memref<512xf32, #tpu.memory_space<vmem>>, vector<16xf32>,
    %get3A_603 = arith.constant 480 : index
    %get3A_604 = tpu.vector_load %arg8[%get3A_603] {strides = array<i32>} : memref<512xf32, #tpu.memory_space<vmem>>, vector<16xf32>,
    %get3A_605 = arith.constant 480 : index
    %get3A_606 = tpu.vector_load %arg9[%get3A_605] {strides = array<i32>} : memref<512xf32, #tpu.memory_space<vmem>>, vector<16xf32>,
    %add3A_607 = arith.addf %get3A_604, %get3A_606 : vector<16xf32>
    %neg3A_608 = arith.constant 0.000000e+00 : f32
    %neg3A_609 = vector.broadcast %neg3A_608 : f32 to vector<16xf32>
    %neg3A_610 = arith.subf %neg3A_609, %add3A_607 : vector<16xf32>
    %exp3A_611 = math.exp %neg3A_610 : vector<16xf32>
    %add3A_612 = arith.constant 1.000000e+00 : f32
    %add3A_613 = vector.broadcast %add3A_612 : f32 to vector<16xf32>
    %add3A_614 = arith.addf %add3A_613, %exp3A_611 : vector<16xf32>
    %div3A_615 = arith.constant 1.000000e+00 : f32
    %div3A_616 = vector.broadcast %div3A_615 : f32 to vector<16xf32>
    %div3A_617 = arith.divf %div3A_616, %add3A_614 : vector<16xf32>
    %swap3A_618 = arith.constant 480 : index
    %swap3A_619 = tpu.vector_load %arg10[%swap3A_618] {strides = array<i32>} : memref<512xf32, #tpu.memory_space<vmem>>, vector<16xf32>,
    tpu.vector_store %arg10[%swap3A_618], %div3A_617 {strides = array<i32>} : memref<512xf32, #tpu.memory_space<vmem>>, vector<16xf32>,
    %get3A_620 = arith.constant 496 : index
    %get3A_621 = tpu.vector_load %arg8[%get3A_620] {strides = array<i32>} : memref<512xf32, #tpu.memory_space<vmem>>, vector<16xf32>,
    %get3A_622 = arith.constant 496 : index
    %get3A_623 = tpu.vector_load %arg9[%get3A_622] {strides = array<i32>} : memref<512xf32, #tpu.memory_space<vmem>>, vector<16xf32>,
    %add3A_624 = arith.addf %get3A_621, %get3A_623 : vector<16xf32>
    %neg3A_625 = arith.constant 0.000000e+00 : f32
    %neg3A_626 = vector.broadcast %neg3A_625 : f32 to vector<16xf32>
    %neg3A_627 = arith.subf %neg3A_626, %add3A_624 : vector<16xf32>
    %exp3A_628 = math.exp %neg3A_627 : vector<16xf32>
    %add3A_629 = arith.constant 1.000000e+00 : f32
    %add3A_630 = vector.broadcast %add3A_629 : f32 to vector<16xf32>
    %add3A_631 = arith.addf %add3A_630, %exp3A_628 : vector<16xf32>
    %div3A_632 = arith.constant 1.000000e+00 : f32
    %div3A_633 = vector.broadcast %div3A_632 : f32 to vector<16xf32>
    %div3A_634 = arith.divf %div3A_633, %add3A_631 : vector<16xf32>
    %swap3A_635 = arith.constant 496 : index
    %swap3A_636 = tpu.vector_load %arg10[%swap3A_635] {strides = array<i32>} : memref<512xf32, #tpu.memory_space<vmem>>, vector<16xf32>,
    tpu.vector_store %arg10[%swap3A_635], %div3A_634 {strides = array<i32>} : memref<512xf32, #tpu.memory_space<vmem>>, vector<16xf32>,
    "tpu.region"() ({
      %run_scoped3A_637 = tpu.sem_alloc : memref<!tpu.dma_semaphore, #tpu.memory_space<semaphore_mem>>
      %dma_start3A_638 = tpu.memref_slice %arg5[%mul3A_2] : memref<16384xf32, #tpu.memory_space<hbm>> -> memref<512xf32, #tpu.memory_space<hbm>>
      %dma_start3A_639 = tpu.memref_slice %arg5[%mul3A_2] : memref<16384xf32, #tpu.memory_space<hbm>> -> memref<512xf32, #tpu.memory_space<hbm>>
      tpu.enqueue_dma source(%arg10 : memref<512xf32, #tpu.memory_space<vmem>>) target(%dma_start3A_639 : memref<512xf32, #tpu.memory_space<hbm>>) target_semaphore(%run_scoped3A_637 : memref<!tpu.dma_semaphore, #tpu.memory_space<semaphore_mem>>)
      %dma_wait3A_640 = tpu.memref_slice %arg5[%mul3A_2] : memref<16384xf32, #tpu.memory_space<hbm>> -> memref<512xf32, #tpu.memory_space<hbm>>
      %dma_wait3A_641 = tpu.memref_slice %arg5[%mul3A_2] : memref<16384xf32, #tpu.memory_space<hbm>> -> memref<512xf32, #tpu.memory_space<hbm>>
      tpu.wait_dma2 semaphore(%run_scoped3A_637 : memref<!tpu.dma_semaphore, #tpu.memory_space<semaphore_mem>>) src(%arg10 : memref<512xf32, #tpu.memory_space<vmem>>) dst(%dma_wait3A_641 : memref<512xf32, #tpu.memory_space<hbm>>)
      tpu.yield
    }) : () -> ()
    return
  }
}

module attributes {stable_mosaic.version = 14 : i64} {
  func.func @_tc_score_body(%arg0: i32, %arg1: memref<64x14336xf32, #tpu.memory_space<vmem>>, %arg2: memref<64x14336xf32, #tpu.memory_space<vmem>>, %arg3: memref<1x128xf32, #tpu.memory_space<vmem>>, %arg4: memref<1xf32, #tpu.memory_space<smem>>, %arg5: memref<14336xf32, #tpu.memory_space<vmem>>, %arg6: memref<14336xf32, #tpu.memory_space<vmem>>) attributes {dimension_semantics = [#tpu.dimension_semantics<arbitrary>], iteration_bounds = array<i64: 7>, scalar_prefetch = 0 : i64, scratch_operands = 0 : i64, tpu.core_type = #tpu.core_type<tc>, window_params = [{transform_indices = @transform_0, window_bounds = array<i64: 64, 14336>}, {transform_indices = @transform_1, window_bounds = array<i64: 64, 14336>}, {pipeline_mode = #tpu.pipeline_mode<synchronous>, transform_indices = @transform_2, window_bounds = array<i64: 1, 128>}, {transform_indices = @transform_3, window_bounds = array<i64: 1>}, {transform_indices = @transform_4, window_bounds = array<i64: 14336>}, {transform_indices = @transform_5, window_bounds = array<i64: 14336>}]} {
    %get3A = arith.constant 0 : index
    %get3A_0 = arith.constant 0 : index
    %get3A_1 = vector.load %arg3[%get3A, %get3A_0] : memref<1x128xf32, #tpu.memory_space<vmem>>, vector<1x128xf32>
    %transpose3A = tpu.transpose %get3A_1, [1, 0] : vector<1x128xf32> -> vector<128x1xf32>
    %get3A_2 = arith.constant 0 : index
    %get3A_3 = arith.constant 0 : index
    %get3A_4 = vector.load %arg1[%get3A_2, %get3A_3] : memref<64x14336xf32, #tpu.memory_space<vmem>>, vector<64x14336xf32>
    %slice3A = vector.extract_strided_slice %transpose3A {offsets = [0, 0], sizes = [64, 1], strides = [1, 1]} : vector<128x1xf32> to vector<64x1xf32>
    %mul3A = vector.broadcast %slice3A : vector<64x1xf32> to vector<64x14336xf32>
    %mul3A_5 = arith.mulf %get3A_4, %mul3A : vector<64x14336xf32>
    %reduce_sum3A = arith.constant dense<0.000000e+00> : vector<14336xf32>
    %reduce_sum3A_6 = vector.multi_reduction <add>, %mul3A_5, %reduce_sum3A [0] : vector<64x14336xf32> to vector<14336xf32>
    %get3A_7 = arith.constant 0 : index
    %get3A_8 = memref.load %arg4[%get3A_7] : memref<1xf32, #tpu.memory_space<smem>>
    %add3A = vector.broadcast %get3A_8 : f32 to vector<14336xf32>
    %add3A_9 = arith.addf %reduce_sum3A_6, %add3A : vector<14336xf32>
    %swap3A = arith.constant 0 : index
    %swap3A_10 = vector.load %arg5[%swap3A] : memref<14336xf32, #tpu.memory_space<vmem>>, vector<14336xf32>
    tpu.vector_store %arg5[%swap3A], %add3A_9 {strides = array<i32>} : memref<14336xf32, #tpu.memory_space<vmem>>, vector<14336xf32>,
    %get3A_11 = arith.constant 0 : index
    %get3A_12 = arith.constant 0 : index
    %get3A_13 = vector.load %arg2[%get3A_11, %get3A_12] : memref<64x14336xf32, #tpu.memory_space<vmem>>, vector<64x14336xf32>
    %slice3A_14 = vector.extract_strided_slice %transpose3A {offsets = [64, 0], sizes = [64, 1], strides = [1, 1]} : vector<128x1xf32> to vector<64x1xf32>
    %mul3A_15 = vector.broadcast %slice3A_14 : vector<64x1xf32> to vector<64x14336xf32>
    %mul3A_16 = arith.mulf %get3A_13, %mul3A_15 : vector<64x14336xf32>
    %reduce_sum3A_17 = arith.constant dense<0.000000e+00> : vector<14336xf32>
    %reduce_sum3A_18 = vector.multi_reduction <add>, %mul3A_16, %reduce_sum3A_17 [0] : vector<64x14336xf32> to vector<14336xf32>
    %swap3A_19 = arith.constant 0 : index
    %swap3A_20 = vector.load %arg6[%swap3A_19] : memref<14336xf32, #tpu.memory_space<vmem>>, vector<14336xf32>
    tpu.vector_store %arg6[%swap3A_19], %reduce_sum3A_18 {strides = array<i32>} : memref<14336xf32, #tpu.memory_space<vmem>>, vector<14336xf32>,
    return
  }
  func.func @transform_0(%arg0: i32) -> (i32, i32) {
    %c0_i32 = arith.constant 0 : i32
    %c0_i32_0 = arith.constant 0 : i32
    return %c0_i32, %arg0 : i32, i32
  }
  func.func @transform_1(%arg0: i32) -> (i32, i32) {
    %c0_i32 = arith.constant 0 : i32
    %c0_i32_0 = arith.constant 0 : i32
    return %c0_i32, %arg0 : i32, i32
  }
  func.func @transform_2(%arg0: i32) -> (i32, i32) {
    %c0_i32 = arith.constant 0 : i32
    %c0_i32_0 = arith.constant 0 : i32
    %c0_i32_1 = arith.constant 0 : i32
    return %c0_i32, %c0_i32_0 : i32, i32
  }
  func.func @transform_3(%arg0: i32) -> i32 {
    %c0_i32 = arith.constant 0 : i32
    %c0_i32_0 = arith.constant 0 : i32
    return %c0_i32 : i32
  }
  func.func @transform_4(%arg0: i32) -> i32 {
    %c0_i32 = arith.constant 0 : i32
    return %arg0 : i32
  }
  func.func @transform_5(%arg0: i32) -> i32 {
    %c0_i32 = arith.constant 0 : i32
    return %arg0 : i32
  }
}

</mosaic_0001>

<sc_bundles>
// kernel: _run.4.cloned.1.call-start
scs
__scs_entry_jumppad:
0x0: {  	(pc) =	sbr.rel $0x88, $3  }
0x1: {  	(tag) =	ssettag $0x0;
	lr =	simm.s32 $0x1  }
0x2: {  	[smem:$0x3F9C] =	sst lr;
	_ =	strace $0xD0000000  }
0x3: {  	_ = 	snop  }
0x4: {  	_ = 	snop  }
0x5: {  	_ = 	snop  }
0x6: {  	_ = 	snop  }
0x7: {  	_ = 	snop  }
__scs_overlays_trampoline_lowered:
0x8: {  	[smem:$0x3FAB] =	sst s0  }
0x9: {  	[smem:$0x3FAC] =	sst s1  }
0xa: {  	[smem:$0x3FAD] =	sst s2  }
0xb: {  	[smem:$0x3FAE] =	sst s3  }
0xc: {  	[smem:$0x3FAF] =	sst s4  }
0xd: {  	[smem:$0x3FB0] =	sst s5  }
0xe: {  	[smem:$0x3FB1] =	sst s6  }
0xf: {  	[smem:$0x3FB2] =	sst s7  }
0x10: {  	[smem:$0x3FB3] =	sst s8  }
0x11: {  	[smem:$0x3FB4] =	sst s9;
	s0 =	simm.s32 @!p0 $0x0  }
0x12: {  	s1 =	sld [smem:$0x3F9A];
	s0 =	simm.s32 @p0 $0x1  }
0x13: {  	[smem:$0x3FB5] =	sst s0;
	s0 =	simm.s32 @!p1 $0x0  }
0x14: {  	s2 =	sld [smem:$0x3F99];
	s0 =	simm.s32 @p1 $0x1  }
0x15: {  	[smem:$0x3FB6] =	sst s0;
	s0 =	simm.s32 @!p2 $0x0  }
0x16: {  	s3 =	sld [smem:$0x3FDB];
	s0 =	simm.s32 @p2 $0x1  }
0x17: {  	s4 =	simm.s32 $0x1BF5;
	[smem:$0x3FB8] =	sst s0  }
0x18: {  	s0 =	sld [smem:$0x3F9B];
	_ =	swait.ge [sflag:s4], $0x0  }
0x19: {  	s7 =	sld [smem:$0x3F9C]  }
0x1a: {  	s8 =	sadd.s32 $0xFFFFE003, lr  }
0x1b: {  	s9 =	sadd.s32 $0xFFFFFEF7, lr;
	s5 =	simm.s32 $0xFFFFFFFF;
	p2 =	slt.u32 s8, $0xFFFFF086  }
0x1c: {  	p1 =	slt.u32 s9, $0xF7A;
	s5 =	simm.s32 @!p2 $0x0  }
0x1d: {  	s5 =	simm.s32 @p1 $0x1;
	p0 =	seq.s32 s7, s2  }
0x1e: {  	s7 =	smul.u32 @!p0 $0xF7A, s2;
	p2 =	seq.s32 @!p0 s5, $0x0  }
0x1f: {  	s9 =	smul.u32 $0xF7A, s1;
	s8 =	simm.s32 @!p0 $0x1BF5;
	p2 =	por !p2, p0  }
0x20: {  	[sflag:s8] =	ssyncset.s32 @!p0 $0xFFFFF086;
	s6 =	sadd.s32 @!p0 s3, s7;
	s7 =	simm.s32 @!p0 $0x108  }
0x21: {  	s3 =	sadd.s32 s3, s9;
	s6 =	sadd.s32 @!p0 $0x88, s6;
	s7 =	simm.s32 @p2 $0x1082  }
0x22: {  	[simem:s7], [sflag:s8] =	dma.local @!p0 [hbm:s6], $0xF7A  }
0x23: {  	s9 =	sor.u32 $0xD0000000, s2;
	s6 =	simm.s32 $0x108;
	_ =	swait.ge @!p0 [sflag:s8], $0x0  }
0x24: {  	s3 =	sadd.s32 $0x88, s3;
	s6 =	simm.s32 @!p1 $0x1082;
	[sflag:s4] =	ssyncset.s32 $0xFFFFF086  }
0x25: {  	[simem:s6], [sflag:s4] =	dma.local [hbm:s3], $0xF7A  }
0x26: {  	[smem:$0x3F9C] =	sst s1;
	(tag) =	ssettag s2;
	_ =	strace s9  }
0x27: {  	s1 =	sld [smem:$0x3FAC]  }
0x28: {  	s2 =	sld [smem:$0x3FAD]  }
0x29: {  	s4 =	sld [smem:$0x3FAF]  }
0x2a: {  	p0 =	seq.s32 s5, $0x0;
	s5 =	sld [smem:$0x3FB0]  }
0x2b: {  	s6 =	sld [smem:$0x3FB1]  }
0x2c: {  	s7 =	sld [smem:$0x3FB2]  }
0x2d: {  	s3 =	simm.s32 $0x108;
	s8 =	sld [smem:$0x3FB3]  }
0x2e: {  	s3 =	simm.s32 @!p0 $0x1082;
	s9 =	sld [smem:$0x3FB4]  }
0x2f: {  	lr =	sadd.s32 s0, s3;
	s0 =	sld [smem:$0x3FAB]  }
0x30: {  	s3 =	sld [smem:$0x3FAE]  }
0x31: {  	[smem:$0x3FB7] =	sst s10  }
0x32: {  	s10 =	sld [smem:$0x3FB5];
	_ =	sdelay $0x3  }
0x33: {  	p0 =	seq.s32 s10, $0x1;
	s10 =	sld [smem:$0x3FB7];
	_ =	sdelay $0x3  }
0x34: {  	[smem:$0x3FB7] =	sst s10  }
0x35: {  	s10 =	sld [smem:$0x3FB6];
	_ =	sdelay $0x3  }
0x36: {  	p1 =	seq.s32 s10, $0x1;
	s10 =	sld [smem:$0x3FB7];
	_ =	sdelay $0x3  }
0x37: {  	[smem:$0x3FB7] =	sst s10  }
0x38: {  	s10 =	sld [smem:$0x3FB8]  }
0x39: {  	_ = 	snop;
	(pc) =	sbr.ind lr, $3  }
0x3a: {  	_ = 	snop  }
0x3b: {  	_ = 	snop  }
0x3c: {  	p2 =	seq.s32 s10, $0x1;
	s10 =	sld [smem:$0x3FB7]  }
0x3d: {  	_ =	shalt  }
0x3e: {  	_ =	shalt  }
0x3f: {  	_ =	shalt  }
0x40: {  	_ =	shalt  }
0x41: {  	_ =	shalt  }
0x42: {  	_ =	shalt  }
0x43: {  	_ =	shalt  }
0x44: {  	_ =	shalt  }
0x45: {  	_ =	shalt  }
0x46: {  	_ =	shalt  }
0x47: {  	_ =	shalt  }
0x48: {  	_ =	shalt  }
0x49: {  	_ =	shalt  }
0x4a: {  	_ =	shalt  }
0x4b: {  	_ =	shalt  }
0x4c: {  	_ =	shalt  }
0x4d: {  	_ =	shalt  }
0x4e: {  	_ =	shalt  }
0x4f: {  	_ =	shalt  }
0x50: {  	_ =	shalt  }
0x51: {  	_ =	shalt  }
0x52: {  	_ =	shalt  }
0x53: {  	_ =	shalt  }
0x54: {  	_ =	shalt  }
0x55: {  	_ =	shalt  }
0x56: {  	_ =	shalt  }
0x57: {  	_ =	shalt  }
0x58: {  	_ =	shalt  }
0x59: {  	_ =	shalt  }
0x5a: {  	_ =	shalt  }
0x5b: {  	_ =	shalt  }
0x5c: {  	_ =	shalt  }
0x5d: {  	_ =	shalt  }
0x5e: {  	_ =	shalt  }
0x5f: {  	_ =	shalt  }
0x60: {  	_ =	shalt  }
0x61: {  	_ =	shalt  }
0x62: {  	_ =	shalt  }
0x63: {  	_ =	shalt  }
0x64: {  	_ =	shalt  }
0x65: {  	_ =	shalt  }
0x66: {  	_ =	shalt  }
0x67: {  	_ =	shalt  }
0x68: {  	_ =	shalt  }
0x69: {  	_ =	shalt  }
0x6a: {  	_ =	shalt  }
0x6b: {  	_ =	shalt  }
0x6c: {  	_ =	shalt  }
0x6d: {  	_ =	shalt  }
0x6e: {  	_ =	shalt  }
0x6f: {  	_ =	shalt  }
0x70: {  	_ =	shalt  }
0x71: {  	_ =	shalt  }
0x72: {  	_ =	shalt  }
0x73: {  	_ =	shalt  }
0x74: {  	_ =	shalt  }
0x75: {  	_ =	shalt  }
0x76: {  	_ =	shalt  }
0x77: {  	_ =	shalt  }
0x78: {  	_ =	shalt  }
0x79: {  	_ =	shalt  }
0x7a: {  	_ =	shalt  }
0x7b: {  	_ =	shalt  }
0x7c: {  	_ =	shalt  }
0x7d: {  	_ =	shalt  }
0x7e: {  	_ =	shalt  }
0x7f: {  	_ =	shalt  }
0x80: {  	_ =	shalt  }
0x81: {  	_ =	shalt  }
0x82: {  	_ =	shalt  }
0x83: {  	_ =	shalt  }
0x84: {  	_ =	shalt  }
0x85: {  	_ =	shalt  }
0x86: {  	_ =	shalt  }
0x87: {  	_ =	shalt  }
.Lfunc_end0:
.L_simem_size_0:
called_computation_lowered:
.L_overlay_start_0:
0x88: {  	s2 =	sld [smem:$0x3FD9]  }
0x89: {  	s3 =	sld [smem:$0x3FFE];
	_ =	sdelay $0x1  }
0x8a: {  	s1 =	srdreg.scid  }
0x8b: {  	s0 =	sand.u32 $0x1, s1  }
0x8c: {  	s17 =	sshll.u32 s0, $0xA;
	s2 =	sadd.s32 s3, s2  }
0x8d: {  	s2 =	sadd.s32 s2, s17  }
0x8e: {  	[smem:$0x3FC3] =	sst s2  }
0x8f: {  	_ = 	snop  }
0x90: {  	s2 =	sld [smem:$0x3FD0];
	(tm) =	ssettm $0x1  }
0x91: {  	s18 =	sld [smem:$0x3FFB];
	_ =	sdelay $0x3  }
0x92: {  	_ =	strace s18  }
0x93: {  	s3 =	sld [smem:$0x3FFC];
	_ =	sdelay $0x3  }
0x94: {  	_ =	strace s3  }
0x95: {  	s3 =	sld [smem:$0x3FFD];
	_ =	sdelay $0x3  }
0x96: {  	_ =	strace s3  }
0x97: {  	_ =	strace $0x8FFFFFFF  }
0x98: {  	s19 =	sld [smem:$0x3FDB];
	_ =	sdelay $0x1  }
0x99: {  	s4 =	simm.s32 $_scs_section_size  }
0x9a: {  	s5 =	simm.s32 $_size__tile_overlayer_lowered;
	s6 =	simm.s32 $_tile_overlayer_lowered  }
0x9b: {  	s22 =	simm.s32 $0x1BFF;
	s21 =	sshll.u32 s6, $0x1;
	s3 =	sadd.s32 s4, s19  }
0x9c: {  	s7 =	simm.s32 $0x0;
	s20 =	sshll.u32 s5, $0x1;
	s5 =	sadd.s32 s21, s3  }
0x9d: {  	[timem:s7], [sflag:s22] =	dma.local [hbm:s5], s20  }
0x9e: {  	_ =	swait.ge [sflag:s22], s20  }
0x9f: {  	s4 =	ssub.s32 $0x0, s20;
	[sflag:s22] =	ssyncset.done $0x0  }
0xa0: {  	[sflag:s22] =	ssyncadd.s32 s4;
	_ =	sdelay $0x1  }
0xa1: {  	s23 =	simm.s32 $0x1B8B  }
0xa2: {  	_ =	swait.ge [sflag:s23], $0x1  }
0xa3: {  	[sflag:s23] =	ssyncset.done $0x0  }
0xa4: {  	s25 =	simm.s32 $0x1B8E;
	s24 =	sld [smem:$0x3FFE];
	[sflag:s23] =	ssyncadd.s32 $0xFFFFFFFF  }
0xa5: {  	s26 =	simm.s32 $execute0_lowered;
	[smem:$0x3FD2] =	sst s25  }
0xa6: {  	s5 =	sshll.u32 s26, $0x1;
	_ =	strace $0x80000046;
	[dreg:$0x1] =	wrdreg $0xFFFFFFFF  }
0xa7: {  	s28 =	simm.s32 $_size_execute0_lowered;
	s3 =	sadd.s32 s3, s5;
	[dreg:$0x0] =	wrdreg $0x0  }
0xa8: {  	s5 =	sshll.u32 s28, $0x1;
	[dreg:$0x2] =	wrdreg s3  }
0xa9: {  	[dreg:$0x3] =	wrdreg s5  }
0xaa: {  	[dreg:$0x4] =	wrdreg $0xC0  }
0xab: {  	_ =	task [dreg:s7], $0x5FFFF  }
0xac: {  	[dreg:$0x1] =	wrdreg $0xFFFFFFFF  }
0xad: {  	[dreg:$0x0] =	wrdreg $0x60  }
0xae: {  	[dreg:$0x2] =	wrdreg s24  }
0xaf: {  	[dreg:$0x3] =	wrdreg s2  }
0xb0: {  	[dreg:$0x4] =	wrdreg $0x9  }
0xb1: {  	_ =	task.clear_ibuf [dreg:s7], $0x5FFFF;
	_ =	strace $0x90000046  }
0xb2: {  	s29 =	simm.s32 $0x9;
	_ =	strace $0x80000048  }
0xb3: {  	_ =	swait.ge [sflag:s29], $0x1  }
0xb4: {  	[sflag:s29] =	ssyncadd.s32 $0xFFFFFFFF  }
0xb5: {  	_ =	strace $0x90000048  }
0xb6: {  	_ =	sfence  }
0xb7: {  	s30 =	sld [smem:$0x0];
	_ =	sdelay $0x2  }
0xb8: {  	s31 =	sshll.u32 s1, $0xD;
	s1 =	sshrl.u32 s1, $0x2  }
0xb9: {  	s3 =	sand.u32 $0x4000, s31;
	s1 =	sadd.s32 s1, s30  }
0xba: {  	s0 =	sor.u32 s3, s0;
	s1 =	sshll.u32 s1, $0x11  }
0xbb: {  	s0 =	sor.u32 s1, s0  }
0xbc: {  	s0 =	sadd.s32 $0x8F2B, s0  }
0xbd: {  	[sflag:s0] =	ssyncadd.remote.s32 $0x1  }
0xbe: {  	_ =	sfence.sel $0xFFFF  }
0xbf: {  	[dreg:$0x0] =	wrdreg $0xFFFFFFFF;
	(pc) =	sbr.abs _section_cstart, $3  }
0xc0: {  	[dreg:$0x1] =	wrdreg $0xFFFFFFFF  }
0xc1: {  	_ =	task.clear_ibuf [dreg:s7], $0x2FFFF;
	_ =	strace $0x9FFFFFFF  }
0xc2: {  	(tm) =	ssettm $0x7FFFFFFF  }
0xc3: {  	_ =	shalt  }
tec
execute0_lowered:
.L_overlay_start_1:
0x0: {  	(tag) =	ssettag $0x1  }
0x1: {  	s4 =	rddreg [dreg:$0x0]  }
0x2: {  	s7 =	rddreg [dreg:$0x1];
	s2 =	srdreg.scid  }
0x3: {  	s0 =	rddreg [dreg:$0x2];
	s1 =	stileid.u32  }
0x4: {  	s10 =	simm.s32 $0x200;
	s11 =	simm.s32 $0x80;
	s12 =	simm.s32 $0x400  }
0x5: {  	s13 =	simm.s32 $0x600;
	s14 =	simm.s32 $0x480;
	s15 =	simm.s32 $0x280  }
0x6: {  	s16 =	simm.s32 $0x680;
	s17 =	simm.s32 $0x100;
	s18 =	simm.s32 $0x500  }
0x7: {  	s19 =	simm.s32 $0x300;
	s20 =	simm.s32 $0x700;
	s21 =	simm.s32 $0x180  }
0x8: {  	s22 =	simm.s32 $0x580;
	s23 =	simm.s32 $0x380;
	s24 =	simm.s32 $0x780  }
0x9: {  	s25 =	simm.s32 $0x1;
	s26 =	simm.s32 $0x2;
	s28 =	simm.s32 $0x800  }
0xa: {  	s3 =	sand.u32 $0x1, s2;
	s2 =	simm.s32 $0x0;
	s5 =	sshll.u32 s1, $0x7  }
0xb: {  	s6 =	sshll.u32 s3, $0x6;
	[smem:$0x7FF] =	sst s2;
	s31 =	ssub.s32 $0x2, s3  }
0xc: {  	s3 =	sadd.s32 $0x1C00, s4;
	s8 =	sor.u32 s6, s5;
	_ =	strace $0x80000047  }
0xd: {  	s9 =	sshrl.u32 s31, $0x1;
	s6 =	sadd.s32 s8, s4;
	s4 =	sadd.s32 $0x4E00, s4  }
0xe: {  	s9 =	ssub.s32 s31, s9;
	s7 =	sadd.s32 s7, s8;
	s5 =	sadd.s32 $0xC00, s6  }
0xf: {  	s6 =	sadd.s32 $0x1400, s6;
	s8 =	smax.u32 s9, $0x1;
	s9 =	simm.s32 $0x3  }
.LBB2_1:
0x10: {  	[tilespmem:s2], [sflag:$0x3] =	stream.linear.gather [hbm4b:s5+s2], $0x200, $0x38;
	[tilespmem:$0xA00] =	vst v63  }
0x11: {  	_ =	swait.ge [sflag:s9], $0x200  }
0x12: {  	[sflag:s9] =	ssyncset.done $0x0  }
0x13: {  	[sflag:s9] =	ssyncadd.s32 $0xFFFFFE00  }
0x14: {  	[tilespmem:s10], [sflag:$0x3] =	stream.linear.gather [hbm4b:s6+s2], $0x200, $0x38;
	[tilespmem:$0xA00] =	vst v63  }
0x15: {  	_ =	swait.ge [sflag:s9], $0x200  }
0x16: {  	[sflag:s9] =	ssyncset.done $0x0  }
0x17: {  	[sflag:s9] =	ssyncadd.s32 $0xFFFFFE00  }
0x18: {  	[tilespmem:s12], [sflag:$0x1] =	stream.indirect.gather [hbm4b:s3+s11], $0x1, s2, s11, $0xb8;
	[tilespmem:$0xA00] =	vst v63  }
0x19: {  	_ = 	snop  }
0x1a: {  	[tilespmem:s13], [sflag:$0x2] =	stream.indirect.gather [hbm4b:s4+s11], $0x1, s10, s11, $0xb8;
	[tilespmem:$0xA00] =	vst v63  }
0x1b: {  	_ = 	snop  }
0x1c: {  	[tilespmem:s14], [sflag:$0x1] =	stream.indirect.gather [hbm4b:s3+s11], $0x1, s11, s11, $0xb8;
	[tilespmem:$0xA00] =	vst v63  }
0x1d: {  	_ = 	snop  }
0x1e: {  	[tilespmem:s16], [sflag:$0x2] =	stream.indirect.gather [hbm4b:s4+s11], $0x1, s15, s11, $0xb8;
	[tilespmem:$0xA00] =	vst v63  }
0x1f: {  	_ = 	snop  }
0x20: {  	[tilespmem:s18], [sflag:$0x1] =	stream.indirect.gather [hbm4b:s3+s11], $0x1, s17, s11, $0xb8;
	[tilespmem:$0xA00] =	vst v63  }
0x21: {  	_ = 	snop  }
0x22: {  	[tilespmem:s20], [sflag:$0x2] =	stream.indirect.gather [hbm4b:s4+s11], $0x1, s19, s11, $0xb8;
	[tilespmem:$0xA00] =	vst v63  }
0x23: {  	_ = 	snop  }
0x24: {  	[tilespmem:s22], [sflag:$0x1] =	stream.indirect.gather [hbm4b:s3+s11], $0x1, s21, s11, $0xb8;
	[tilespmem:$0xA00] =	vst v63  }
0x25: {  	_ = 	snop  }
0x26: {  	[tilespmem:s24], [sflag:$0x2] =	stream.indirect.gather [hbm4b:s4+s11], $0x1, s23, s11, $0xb8;
	[tilespmem:$0xA00] =	vst v63  }
0x27: {  	_ =	swait.ge [sflag:s25], $0x80  }
0x28: {  	[sflag:s25] =	ssyncset.done $0x0  }
0x29: {  	[sflag:s25] =	ssyncadd.s32 $0xFFFFFF80  }
0x2a: {  	_ =	swait.ge [sflag:s26], $0x80  }
0x2b: {  	[sflag:s26] =	ssyncset.done $0x0  }
0x2c: {  	[sflag:s26] =	ssyncadd.s32 $0xFFFFFF80  }
0x2d: {  	_ =	swait.ge [sflag:s25], $0x80  }
0x2e: {  	[sflag:s25] =	ssyncset.done $0x0  }
0x2f: {  	[sflag:s25] =	ssyncadd.s32 $0xFFFFFF80  }
0x30: {  	_ =	swait.ge [sflag:s26], $0x80  }
0x31: {  	[sflag:s26] =	ssyncset.done $0x0  }
0x32: {  	[sflag:s26] =	ssyncadd.s32 $0xFFFFFF80  }
0x33: {  	_ =	swait.ge [sflag:s25], $0x80  }
0x34: {  	[sflag:s25] =	ssyncset.done $0x0  }
0x35: {  	[sflag:s25] =	ssyncadd.s32 $0xFFFFFF80  }
0x36: {  	_ =	swait.ge [sflag:s26], $0x80  }
0x37: {  	[sflag:s26] =	ssyncset.done $0x0  }
0x38: {  	[sflag:s26] =	ssyncadd.s32 $0xFFFFFF80  }
0x39: {  	_ =	swait.ge [sflag:s25], $0x80  }
0x3a: {  	[sflag:s25] =	ssyncset.done $0x0  }
0x3b: {  	[sflag:s25] =	ssyncadd.s32 $0xFFFFFF80  }
0x3c: {  	_ =	swait.ge [sflag:s26], $0x80  }
0x3d: {  	[sflag:s26] =	ssyncset.done $0x0  }
0x3e: {  	[sflag:s26] =	ssyncadd.s32 $0xFFFFFF80  }
0x3f: {  	v0 =	vld [tilespmem:$0x400]  }
0x40: {  	v1 =	vld [tilespmem:$0x600];
	_ =	sdelay $0x4  }
0x41: {  	v0 =	vadd.f32 v1, v0;
	_ =	sdelay $0x1  }
0x42: {  	v0 =	vsub.f32 $0.0e+00, v0;
	_ =	sdelay $0x1  }
0x43: {  	v0 =	vmul.f32 $1.442695020e+00, v0;
	_ =	sdelay $0x1  }
0x44: {  	(erf) = vpow2.f32 v0  }
0x45: {  	v18 =	vld [tilespmem:$0x410]  }
0x46: {  	v19 =	vld [tilespmem:$0x610];
	_ =	sdelay $0x4  }
0x47: {  	v0 =	vadd.f32 v19, v18;
	_ =	sdelay $0x1  }
0x48: {  	v0 =	vsub.f32 $0.0e+00, v0;
	v20 =	vpop (erf)  }
0x49: {  	v1 =	vadd.f32 $1.000000000e+00, v20  }
0x4a: {  	v0 =	vmul.f32 $1.442695020e+00, v0  }
0x4b: {  	(erf) = vrcp.f32 v1  }
0x4c: {  	(erf) = vpow2.f32 v0  }
0x4d: {  	v21 =	vld [tilespmem:$0x420]  }
0x4e: {  	v22 =	vld [tilespmem:$0x620];
	_ =	sdelay $0x4  }
0x4f: {  	v1 =	vadd.f32 v22, v21  }
0x50: {  	v0 =	vpop (erf)  }
0x51: {  	v1 =	vsub.f32 $0.0e+00, v1;
	v2 =	vpop (erf)  }
0x52: {  	v2 =	vadd.f32 $1.000000000e+00, v2  }
0x53: {  	v1 =	vmul.f32 $1.442695020e+00, v1  }
0x54: {  	(erf) = vrcp.f32 v2  }
0x55: {  	(erf) = vpow2.f32 v1  }
0x56: {  	v23 =	vld [tilespmem:$0x430]  }
0x57: {  	v24 =	vld [tilespmem:$0x630];
	_ =	sdelay $0x4  }
0x58: {  	v2 =	vadd.f32 v24, v23  }
0x59: {  	v1 =	vpop (erf)  }
0x5a: {  	v2 =	vsub.f32 $0.0e+00, v2;
	v3 =	vpop (erf)  }
0x5b: {  	v3 =	vadd.f32 $1.000000000e+00, v3  }
0x5c: {  	v2 =	vmul.f32 $1.442695020e+00, v2  }
0x5d: {  	(erf) = vrcp.f32 v3  }
0x5e: {  	(erf) = vpow2.f32 v2  }
0x5f: {  	v25 =	vld [tilespmem:$0x440]  }
0x60: {  	v26 =	vld [tilespmem:$0x640];
	_ =	sdelay $0x4  }
0x61: {  	v3 =	vadd.f32 v26, v25  }
0x62: {  	v2 =	vpop (erf)  }
0x63: {  	v3 =	vsub.f32 $0.0e+00, v3;
	v4 =	vpop (erf)  }
0x64: {  	v4 =	vadd.f32 $1.000000000e+00, v4  }
0x65: {  	v3 =	vmul.f32 $1.442695020e+00, v3  }
0x66: {  	(erf) = vrcp.f32 v4  }
0x67: {  	(erf) = vpow2.f32 v3  }
0x68: {  	v27 =	vld [tilespmem:$0x450]  }
0x69: {  	v28 =	vld [tilespmem:$0x650];
	_ =	sdelay $0x4  }
0x6a: {  	v4 =	vadd.f32 v28, v27  }
0x6b: {  	v3 =	vpop (erf)  }
0x6c: {  	v4 =	vsub.f32 $0.0e+00, v4;
	v5 =	vpop (erf)  }
0x6d: {  	v5 =	vadd.f32 $1.000000000e+00, v5  }
0x6e: {  	v4 =	vmul.f32 $1.442695020e+00, v4  }
0x6f: {  	(erf) = vrcp.f32 v5  }
0x70: {  	(erf) = vpow2.f32 v4  }
0x71: {  	v29 =	vld [tilespmem:$0x460]  }
0x72: {  	v30 =	vld [tilespmem:$0x660];
	_ =	sdelay $0x4  }
0x73: {  	v5 =	vadd.f32 v30, v29  }
0x74: {  	v4 =	vpop (erf)  }
0x75: {  	v5 =	vsub.f32 $0.0e+00, v5;
	v6 =	vpop (erf)  }
0x76: {  	v6 =	vadd.f32 $1.000000000e+00, v6  }
0x77: {  	v5 =	vmul.f32 $1.442695020e+00, v5  }
0x78: {  	(erf) = vrcp.f32 v6  }
0x79: {  	(erf) = vpow2.f32 v5  }
0x7a: {  	v31 =	vld [tilespmem:$0x470]  }
0x7b: {  	v32 =	vld [tilespmem:$0x670];
	_ =	sdelay $0x4  }
0x7c: {  	v6 =	vadd.f32 v32, v31  }
0x7d: {  	v5 =	vpop (erf)  }
0x7e: {  	v6 =	vsub.f32 $0.0e+00, v6;
	v7 =	vpop (erf)  }
0x7f: {  	v7 =	vadd.f32 $1.000000000e+00, v7  }
0x80: {  	v6 =	vmul.f32 $1.442695020e+00, v6  }
0x81: {  	(erf) = vrcp.f32 v7  }
0x82: {  	(erf) = vpow2.f32 v6  }
0x83: {  	v33 =	vld [tilespmem:$0x480]  }
0x84: {  	v34 =	vld [tilespmem:$0x680];
	_ =	sdelay $0x4  }
0x85: {  	v7 =	vadd.f32 v34, v33  }
0x86: {  	v6 =	vpop (erf)  }
0x87: {  	v7 =	vsub.f32 $0.0e+00, v7;
	v8 =	vpop (erf)  }
0x88: {  	v8 =	vadd.f32 $1.000000000e+00, v8  }
0x89: {  	v7 =	vmul.f32 $1.442695020e+00, v7  }
0x8a: {  	(erf) = vrcp.f32 v8  }
0x8b: {  	(erf) = vpow2.f32 v7  }
0x8c: {  	v35 =	vld [tilespmem:$0x490]  }
0x8d: {  	v36 =	vld [tilespmem:$0x690];
	_ =	sdelay $0x4  }
0x8e: {  	v8 =	vadd.f32 v36, v35  }
0x8f: {  	v7 =	vpop (erf)  }
0x90: {  	v8 =	vsub.f32 $0.0e+00, v8;
	v9 =	vpop (erf)  }
0x91: {  	v9 =	vadd.f32 $1.000000000e+00, v9  }
0x92: {  	v8 =	vmul.f32 $1.442695020e+00, v8  }
0x93: {  	(erf) = vrcp.f32 v9  }
0x94: {  	(erf) = vpow2.f32 v8  }
0x95: {  	v37 =	vld [tilespmem:$0x4A0]  }
0x96: {  	v38 =	vld [tilespmem:$0x6A0];
	_ =	sdelay $0x4  }
0x97: {  	v9 =	vadd.f32 v38, v37  }
0x98: {  	v8 =	vpop (erf)  }
0x99: {  	v9 =	vsub.f32 $0.0e+00, v9;
	v10 =	vpop (erf)  }
0x9a: {  	v10 =	vadd.f32 $1.000000000e+00, v10  }
0x9b: {  	v9 =	vmul.f32 $1.442695020e+00, v9  }
0x9c: {  	(erf) = vrcp.f32 v10  }
0x9d: {  	(erf) = vpow2.f32 v9  }
0x9e: {  	v39 =	vld [tilespmem:$0x4B0]  }
0x9f: {  	v40 =	vld [tilespmem:$0x6B0];
	_ =	sdelay $0x4  }
0xa0: {  	v10 =	vadd.f32 v40, v39  }
0xa1: {  	v9 =	vpop (erf)  }
0xa2: {  	v10 =	vsub.f32 $0.0e+00, v10;
	v11 =	vpop (erf)  }
0xa3: {  	v11 =	vadd.f32 $1.000000000e+00, v11  }
0xa4: {  	v10 =	vmul.f32 $1.442695020e+00, v10  }
0xa5: {  	(erf) = vrcp.f32 v11  }
0xa6: {  	(erf) = vpow2.f32 v10  }
0xa7: {  	v41 =	vld [tilespmem:$0x4C0]  }
0xa8: {  	v42 =	vld [tilespmem:$0x6C0];
	_ =	sdelay $0x4  }
0xa9: {  	v11 =	vadd.f32 v42, v41  }
0xaa: {  	v10 =	vpop (erf)  }
0xab: {  	v11 =	vsub.f32 $0.0e+00, v11;
	v12 =	vpop (erf)  }
0xac: {  	v12 =	vadd.f32 $1.000000000e+00, v12  }
0xad: {  	v11 =	vmul.f32 $1.442695020e+00, v11  }
0xae: {  	(erf) = vrcp.f32 v12  }
0xaf: {  	(erf) = vpow2.f32 v11  }
0xb0: {  	v43 =	vld [tilespmem:$0x4D0]  }
0xb1: {  	v44 =	vld [tilespmem:$0x6D0];
	_ =	sdelay $0x4  }
0xb2: {  	v12 =	vadd.f32 v44, v43  }
0xb3: {  	v11 =	vpop (erf)  }
0xb4: {  	v12 =	vsub.f32 $0.0e+00, v12;
	v13 =	vpop (erf)  }
0xb5: {  	v13 =	vadd.f32 $1.000000000e+00, v13  }
0xb6: {  	v12 =	vmul.f32 $1.442695020e+00, v12  }
0xb7: {  	(erf) = vrcp.f32 v13  }
0xb8: {  	(erf) = vpow2.f32 v12  }
0xb9: {  	v45 =	vld [tilespmem:$0x4E0]  }
0xba: {  	v46 =	vld [tilespmem:$0x6E0];
	_ =	sdelay $0x4  }
0xbb: {  	v13 =	vadd.f32 v46, v45  }
0xbc: {  	v12 =	vpop (erf)  }
0xbd: {  	v13 =	vsub.f32 $0.0e+00, v13;
	v14 =	vpop (erf)  }
0xbe: {  	v14 =	vadd.f32 $1.000000000e+00, v14  }
0xbf: {  	v13 =	vmul.f32 $1.442695020e+00, v13  }
0xc0: {  	(erf) = vrcp.f32 v14  }
0xc1: {  	(erf) = vpow2.f32 v13  }
0xc2: {  	v47 =	vld [tilespmem:$0x4F0]  }
0xc3: {  	v48 =	vld [tilespmem:$0x6F0];
	_ =	sdelay $0x4  }
0xc4: {  	v14 =	vadd.f32 v48, v47  }
0xc5: {  	v13 =	vpop (erf)  }
0xc6: {  	v14 =	vsub.f32 $0.0e+00, v14;
	v15 =	vpop (erf)  }
0xc7: {  	v15 =	vadd.f32 $1.000000000e+00, v15  }
0xc8: {  	v14 =	vmul.f32 $1.442695020e+00, v14  }
0xc9: {  	(erf) = vrcp.f32 v15  }
0xca: {  	(erf) = vpow2.f32 v14  }
0xcb: {  	v49 =	vld [tilespmem:$0x500]  }
0xcc: {  	v50 =	vld [tilespmem:$0x700];
	_ =	sdelay $0x4  }
0xcd: {  	v15 =	vadd.f32 v50, v49  }
0xce: {  	v14 =	vpop (erf)  }
0xcf: {  	v15 =	vsub.f32 $0.0e+00, v15;
	v16 =	vpop (erf)  }
0xd0: {  	v16 =	vadd.f32 $1.000000000e+00, v16  }
0xd1: {  	v15 =	vmul.f32 $1.442695020e+00, v15  }
0xd2: {  	(erf) = vrcp.f32 v16  }
0xd3: {  	(erf) = vpow2.f32 v15  }
0xd4: {  	v51 =	vld [tilespmem:$0x510]  }
0xd5: {  	v52 =	vld [tilespmem:$0x710];
	_ =	sdelay $0x4  }
0xd6: {  	v16 =	vadd.f32 v52, v51  }
0xd7: {  	v15 =	vpop (erf)  }
0xd8: {  	v16 =	vsub.f32 $0.0e+00, v16;
	v17 =	vpop (erf)  }
0xd9: {  	v17 =	vadd.f32 $1.000000000e+00, v17  }
0xda: {  	v16 =	vmul.f32 $1.442695020e+00, v16  }
0xdb: {  	(erf) = vrcp.f32 v17  }
0xdc: {  	(erf) = vpow2.f32 v16  }
0xdd: {  	v53 =	vld [tilespmem:$0x520]  }
0xde: {  	v54 =	vld [tilespmem:$0x720];
	_ =	sdelay $0x4  }
0xdf: {  	v17 =	vadd.f32 v54, v53  }
0xe0: {  	v16 =	vpop (erf)  }
0xe1: {  	v17 =	vsub.f32 $0.0e+00, v17;
	v18 =	vpop (erf)  }
0xe2: {  	v18 =	vadd.f32 $1.000000000e+00, v18  }
0xe3: {  	v17 =	vmul.f32 $1.442695020e+00, v17  }
0xe4: {  	(erf) = vrcp.f32 v18  }
0xe5: {  	(erf) = vpow2.f32 v17  }
0xe6: {  	v55 =	vld [tilespmem:$0x530]  }
0xe7: {  	v56 =	vld [tilespmem:$0x730];
	_ =	sdelay $0x4  }
0xe8: {  	v18 =	vadd.f32 v56, v55  }
0xe9: {  	v17 =	vpop (erf)  }
0xea: {  	v18 =	vsub.f32 $0.0e+00, v18;
	v19 =	vpop (erf)  }
0xeb: {  	v19 =	vadd.f32 $1.000000000e+00, v19  }
0xec: {  	v18 =	vmul.f32 $1.442695020e+00, v18  }
0xed: {  	(erf) = vrcp.f32 v19  }
0xee: {  	(erf) = vpow2.f32 v18  }
0xef: {  	v57 =	vld [tilespmem:$0x540]  }
0xf0: {  	v58 =	vld [tilespmem:$0x740];
	_ =	sdelay $0x4  }
0xf1: {  	v19 =	vadd.f32 v58, v57  }
0xf2: {  	v18 =	vpop (erf)  }
0xf3: {  	v19 =	vsub.f32 $0.0e+00, v19;
	v20 =	vpop (erf)  }
0xf4: {  	v20 =	vadd.f32 $1.000000000e+00, v20  }
0xf5: {  	v19 =	vmul.f32 $1.442695020e+00, v19  }
0xf6: {  	(erf) = vrcp.f32 v20  }
0xf7: {  	(erf) = vpow2.f32 v19  }
0xf8: {  	v59 =	vld [tilespmem:$0x550]  }
0xf9: {  	v60 =	vld [tilespmem:$0x750];
	_ =	sdelay $0x4  }
0xfa: {  	v19 =	vadd.f32 v60, v59  }
0xfb: {  	v20 =	vpop (erf)  }
0xfc: {  	v19 =	vsub.f32 $0.0e+00, v19;
	v21 =	vpop (erf)  }
0xfd: {  	v21 =	vadd.f32 $1.000000000e+00, v21  }
0xfe: {  	v19 =	vmul.f32 $1.442695020e+00, v19  }
0xff: {  	(erf) = vrcp.f32 v21  }
0x100: {  	(erf) = vpow2.f32 v19  }
0x101: {  	v61 =	vld [tilespmem:$0x560]  }
0x102: {  	v62 =	vld [tilespmem:$0x760];
	_ =	sdelay $0x4  }
0x103: {  	v19 =	vadd.f32 v62, v61  }
0x104: {  	v63 =	vpop (erf)  }
0x105: {  	v19 =	vsub.f32 $0.0e+00, v19;
	v22 =	vpop (erf)  }
0x106: {  	v22 =	vadd.f32 $1.000000000e+00, v22  }
0x107: {  	v19 =	vmul.f32 $1.442695020e+00, v19  }
0x108: {  	(erf) = vrcp.f32 v22  }
0x109: {  	(erf) = vpow2.f32 v19  }
0x10a: {  	v32 =	vld [tilespmem:$0x570]  }
0x10b: {  	v33 =	vld [tilespmem:$0x770];
	_ =	sdelay $0x4  }
0x10c: {  	v19 =	vadd.f32 v33, v32  }
0x10d: {  	v34 =	vpop (erf)  }
0x10e: {  	v19 =	vsub.f32 $0.0e+00, v19;
	v23 =	vpop (erf)  }
0x10f: {  	v23 =	vadd.f32 $1.000000000e+00, v23  }
0x110: {  	v19 =	vmul.f32 $1.442695020e+00, v19  }
0x111: {  	(erf) = vrcp.f32 v23  }
0x112: {  	(erf) = vpow2.f32 v19  }
0x113: {  	v35 =	vld [tilespmem:$0x580]  }
0x114: {  	v36 =	vld [tilespmem:$0x780];
	_ =	sdelay $0x4  }
0x115: {  	v19 =	vadd.f32 v36, v35  }
0x116: {  	v37 =	vpop (erf)  }
0x117: {  	v19 =	vsub.f32 $0.0e+00, v19;
	v24 =	vpop (erf)  }
0x118: {  	v24 =	vadd.f32 $1.000000000e+00, v24  }
0x119: {  	v19 =	vmul.f32 $1.442695020e+00, v19  }
0x11a: {  	(erf) = vrcp.f32 v24  }
0x11b: {  	(erf) = vpow2.f32 v19  }
0x11c: {  	v38 =	vld [tilespmem:$0x590]  }
0x11d: {  	v39 =	vld [tilespmem:$0x790];
	_ =	sdelay $0x4  }
0x11e: {  	v19 =	vadd.f32 v39, v38  }
0x11f: {  	v40 =	vpop (erf)  }
0x120: {  	v19 =	vsub.f32 $0.0e+00, v19;
	v25 =	vpop (erf)  }
0x121: {  	v25 =	vadd.f32 $1.000000000e+00, v25  }
0x122: {  	v19 =	vmul.f32 $1.442695020e+00, v19  }
0x123: {  	(erf) = vrcp.f32 v25  }
0x124: {  	(erf) = vpow2.f32 v19  }
0x125: {  	v41 =	vld [tilespmem:$0x5A0]  }
0x126: {  	v42 =	vld [tilespmem:$0x7A0];
	_ =	sdelay $0x4  }
0x127: {  	v19 =	vadd.f32 v42, v41  }
0x128: {  	v43 =	vpop (erf)  }
0x129: {  	v19 =	vsub.f32 $0.0e+00, v19;
	v26 =	vpop (erf)  }
0x12a: {  	v26 =	vadd.f32 $1.000000000e+00, v26  }
0x12b: {  	v19 =	vmul.f32 $1.442695020e+00, v19  }
0x12c: {  	(erf) = vrcp.f32 v26  }
0x12d: {  	(erf) = vpow2.f32 v19  }
0x12e: {  	v44 =	vld [tilespmem:$0x5B0]  }
0x12f: {  	v45 =	vld [tilespmem:$0x7B0];
	_ =	sdelay $0x4  }
0x130: {  	v19 =	vadd.f32 v45, v44  }
0x131: {  	v46 =	vpop (erf)  }
0x132: {  	v19 =	vsub.f32 $0.0e+00, v19;
	v27 =	vpop (erf)  }
0x133: {  	v27 =	vadd.f32 $1.000000000e+00, v27  }
0x134: {  	v19 =	vmul.f32 $1.442695020e+00, v19  }
0x135: {  	(erf) = vrcp.f32 v27  }
0x136: {  	(erf) = vpow2.f32 v19  }
0x137: {  	v47 =	vld [tilespmem:$0x5C0]  }
0x138: {  	v48 =	vld [tilespmem:$0x7C0];
	_ =	sdelay $0x4  }
0x139: {  	v19 =	vadd.f32 v48, v47  }
0x13a: {  	v49 =	vpop (erf)  }
0x13b: {  	v19 =	vsub.f32 $0.0e+00, v19;
	v28 =	vpop (erf)  }
0x13c: {  	v28 =	vadd.f32 $1.000000000e+00, v28  }
0x13d: {  	v19 =	vmul.f32 $1.442695020e+00, v19  }
0x13e: {  	(erf) = vrcp.f32 v28  }
0x13f: {  	(erf) = vpow2.f32 v19  }
0x140: {  	v50 =	vld [tilespmem:$0x5D0]  }
0x141: {  	v51 =	vld [tilespmem:$0x7D0];
	_ =	sdelay $0x4  }
0x142: {  	v19 =	vadd.f32 v51, v50  }
0x143: {  	v52 =	vpop (erf)  }
0x144: {  	v19 =	vsub.f32 $0.0e+00, v19;
	v29 =	vpop (erf)  }
0x145: {  	v29 =	vadd.f32 $1.000000000e+00, v29  }
0x146: {  	v19 =	vmul.f32 $1.442695020e+00, v19  }
0x147: {  	(erf) = vrcp.f32 v29  }
0x148: {  	(erf) = vpow2.f32 v19  }
0x149: {  	v53 =	vld [tilespmem:$0x5E0]  }
0x14a: {  	v54 =	vld [tilespmem:$0x7E0];
	_ =	sdelay $0x4  }
0x14b: {  	v19 =	vadd.f32 v54, v53  }
0x14c: {  	v55 =	vpop (erf)  }
0x14d: {  	v19 =	vsub.f32 $0.0e+00, v19;
	v30 =	vpop (erf)  }
0x14e: {  	v30 =	vadd.f32 $1.000000000e+00, v30  }
0x14f: {  	v19 =	vmul.f32 $1.442695020e+00, v19  }
0x150: {  	(erf) = vrcp.f32 v30  }
0x151: {  	(erf) = vpow2.f32 v19  }
0x152: {  	v56 =	vld [tilespmem:$0x5F0]  }
0x153: {  	v57 =	vld [tilespmem:$0x7F0];
	_ =	sdelay $0x1  }
0x154: {  	[tilespmem:$0x800] =	vst v0  }
0x155: {  	[tilespmem:$0x810] =	vst v1  }
0x156: {  	[tilespmem:$0x820] =	vst v2  }
0x157: {  	[tilespmem:$0x830] =	vst v3;
	v58 =	vadd.f32 v57, v56  }
0x158: {  	[tilespmem:$0x840] =	vst v4;
	v59 =	vpop (erf)  }
0x159: {  	[tilespmem:$0x850] =	vst v5;
	v0 =	vsub.f32 $0.0e+00, v58;
	v60 =	vpop (erf)  }
0x15a: {  	[tilespmem:$0x860] =	vst v6;
	v2 =	vadd.f32 $1.000000000e+00, v60  }
0x15b: {  	[tilespmem:$0x870] =	vst v7;
	v0 =	vmul.f32 $1.442695020e+00, v0  }
0x15c: {  	[tilespmem:$0x880] =	vst v8;
	(erf) = vrcp.f32 v2  }
0x15d: {  	[tilespmem:$0x890] =	vst v9;
	(erf) = vpow2.f32 v0  }
0x15e: {  	[tilespmem:$0x8A0] =	vst v10  }
0x15f: {  	[tilespmem:$0x8B0] =	vst v11  }
0x160: {  	[tilespmem:$0x8C0] =	vst v12  }
0x161: {  	[tilespmem:$0x8D0] =	vst v13  }
0x162: {  	[tilespmem:$0x8E0] =	vst v14  }
0x163: {  	[tilespmem:$0x8F0] =	vst v15  }
0x164: {  	[tilespmem:$0x900] =	vst v16  }
0x165: {  	[tilespmem:$0x910] =	vst v17;
	v61 =	vpop (erf)  }
0x166: {  	[tilespmem:$0x920] =	vst v18;
	v62 =	vpop (erf)  }
0x167: {  	[tilespmem:$0x930] =	vst v20;
	v2 =	vadd.f32 $1.000000000e+00, v62  }
0x168: {  	[tilespmem:$0x940] =	vst v63  }
0x169: {  	[tilespmem:$0x950] =	vst v34;
	(erf) = vrcp.f32 v2  }
0x16a: {  	[tilespmem:$0x960] =	vst v37  }
0x16b: {  	[tilespmem:$0x970] =	vst v40  }
0x16c: {  	[tilespmem:$0x980] =	vst v43  }
0x16d: {  	[tilespmem:$0x990] =	vst v46  }
0x16e: {  	[tilespmem:$0x9A0] =	vst v49  }
0x16f: {  	[tilespmem:$0x9B0] =	vst v52  }
0x170: {  	[tilespmem:$0x9C0] =	vst v55  }
0x171: {  	[tilespmem:$0x9D0] =	vst v59  }
0x172: {  	p0 =	sne.s32 s8, $0x1;
	[tilespmem:$0x9E0] =	vst v61;
	v63 =	vpop (erf)  }
.Ltmp0:
0x173: {  	[tilespmem:$0x9F0] =	vst v63;
	(pc) =	sbr.rel @p0 .LBB2_1-.Ltmp0, $4  }
0x174: {  	[hbm4b:s7+s2] =	stream.linear.scatter [tilespmem:s28], [sflag:$0x3], $0x200, $0x38;
	[tilespmem:$0xA00] =	vst v63  }
0x175: {  	_ =	swait.ge [sflag:s9], $0x200  }
0x176: {  	[sflag:s9] =	ssyncset.done $0x0  }
0x177: {  	s8 =	sadd.s32 $0xFFFFFFFF, s8;
	[sflag:s9] =	ssyncadd.s32 $0xFFFFFE00  }
0x178: {  	_ =	sfence.sel $0x180000  }
0x179: {  	[bflag:$0x0] =	sbarrier.arrive $0xFFFF  }
0x17a: {  	p0 =	sne.s32 s1, $0x0;
	_ =	strace $0x90000047  }
0x17b: {  	s0 =	sadd.s32 @!p0 $0x100000, s0;
	[bflag:$0x2] =	sbarrier.arrive $0xFFFF  }
0x17c: {  	[sflag:s0] =	ssyncadd.tile.s32 @!p0 $0x1;
	_ =	shalt  }
.Lfunc_end2:
_tile_overlayer_lowered:
.L_overlay_start_2:
0x17d: {  	(tag) =	ssettag $0x2  }
0x17e: {  	s0 =	rddreg [dreg:$0x0];
	s2 =	stileid.u32  }
0x17f: {  	s1 =	rddreg [dreg:$0x1];
	p0 =	sne.s32 s2, $0x0  }
0x180: {  	s3 =	rddreg [dreg:$0x2];
	[bflag:$0x3] =	sbarrier.arrive $0xFFFF;
	s2 =	simm.s32 @!p0 $0x1C03  }
0x181: {  	[timem:s3], [sflag:s2] =	dma.local @!p0 [hbm:s0], s1  }
0x182: {  	s0 =	simm.s32 @!p0 $0x3  }
0x183: {  	_ =	swait.ge @!p0 [sflag:s0], s1  }
0x184: {  	s1 =	ssub.s32 @!p0 $0x0, s1;
	[sflag:s0] =	ssyncset.done @!p0 $0x0  }
0x185: {  	[sflag:s0] =	ssyncadd.s32 @!p0 s1  }
0x186: {  	[bflag:$0x3] =	sbarrier.arrive $0xFFFF  }
0x187: {  	_ =	shalt  }

</sc_bundles>
